<compile_context>
chip_gen: v7x
topology: tpu7x:2x2x1
jax: 0.10.2.dev20260603
libtpu: 0.0.44.dev20260713+nightly
codegen_flags: <defaults>
</compile_context>

<pallas_src>
import functools

import jax
import jax.numpy as jnp
from jax import lax
from jax.experimental import pallas as pl
from jax.experimental.pallas import tpu as pltpu
from jax.experimental.pallas import tpu_sc as plsc

EMBED = 32
NC = 2
NS = 16
NW = NC * NS
CHUNK = 128


def _make_kernel(batch):
    bpw = batch // NW
    nch = bpw // CHUNK
    out_dim = 4 * EMBED

    mesh = plsc.VectorSubcoreMesh(core_axis_name="c", subcore_axis_name="s")

    @functools.partial(
        pl.kernel,
        out_type=jax.ShapeDtypeStruct((batch, out_dim), jnp.float32),
        mesh=mesh,
        scratch_types=(
            [pltpu.VMEM((nch, CHUNK), jnp.int32) for _ in range(4)]
            + [pltpu.VMEM((bpw, EMBED), jnp.float32) for _ in range(4)]
            + [pltpu.SemaphoreType.DMA]
        ),
        compiler_params=pltpu.CompilerParams(use_tc_tiling_on_sc=False),
    )
    def gather_kernel(u_t, r_t, i_t, n_t, uix, rix, iix, nix, out,
                      vu, vr, vi, vn, gu, gr, gi, gn, sem):
        wid = lax.axis_index("s") * NC + lax.axis_index("c")
        base = wid * bpw
        tables = (u_t, r_t, i_t, n_t)
        idx_hbm = (uix, rix, iix, nix)
        idx_v = (vu, vr, vi, vn)
        rows_v = (gu, gr, gi, gn)
        for t in range(4):
            pltpu.sync_copy(idx_hbm[t].at[wid], idx_v[t])
        copies = []
        for t in range(4):
            for j in range(nch):
                copies.append(pltpu.async_copy(
                    tables[t].at[idx_v[t].at[j]],
                    rows_v[t].at[pl.ds(j * CHUNK, CHUNK)],
                    sem))
        for cp in copies:
            cp.wait()
        for t in range(4):
            pltpu.sync_copy(
                rows_v[t],
                out.at[pl.ds(base, bpw), pl.ds(t * EMBED, EMBED)])

    return gather_kernel


def kernel(uid, rid, ing, nut, user_table, recipe_table, ingredient_table,
           nutrition_table):
    batch = uid.shape[0]
    bpw = batch // NW
    nch = bpw // CHUNK
    uix = uid.astype(jnp.int32).reshape(NW, nch, CHUNK)
    rix = rid.astype(jnp.int32).reshape(NW, nch, CHUNK)
    iix = ing.astype(jnp.int32).reshape(NW, nch, CHUNK)
    nix = nut.astype(jnp.int32).reshape(NW, nch, CHUNK)
    fn = _make_kernel(batch)
    return fn(user_table, recipe_table, ingredient_table, nutrition_table,
              uix, rix, iix, nix)

# --- scband reference (transcript-rebuilt; emitter-appended) ---
"""Pipeline reference for scband-nla-18305150615954 (READ-ONLY COPY).

The authoritative reference and input builder live on the scoring server;
editing this copy changes nothing except your own understanding.
"""

import jax, jax.numpy as jnp
import numpy as np

NUM_USERS = 1000000
NUM_RECIPES = 1000000
NUM_INGREDIENTS = 100000
NUM_NUTRITION = 1000
EMBED_DIM = 32
BATCH = 16384


def setup_inputs(seed: int = 0) -> dict:
    key = jax.random.key(seed)
    k1, k2, k3, k4, k5, k6, k7, k8 = jax.random.split(key, 8)
    uid = jax.random.randint(k1, (BATCH,), 0, NUM_USERS, dtype=jnp.int64) if jax.config.jax_enable_x64 else jax.random.randint(k1, (BATCH,), 0, NUM_USERS).astype(jnp.int32)
    rid = jax.random.randint(k2, (BATCH,), 0, NUM_RECIPES).astype(jnp.int32)
    ing = jax.random.randint(k3, (BATCH,), 0, NUM_INGREDIENTS).astype(jnp.int32)
    nut = jax.random.randint(k4, (BATCH,), 0, NUM_NUTRITION).astype(jnp.int32)
    uid = uid.astype(jnp.int32)
    user_table = jax.random.normal(k5, (NUM_USERS, EMBED_DIM), dtype=jnp.float32)
    recipe_table = jax.random.normal(k6, (NUM_RECIPES, EMBED_DIM), dtype=jnp.float32)
    ingredient_table = jax.random.normal(k7, (NUM_INGREDIENTS, EMBED_DIM), dtype=jnp.float32)
    nutrition_table = jax.random.normal(k8, (NUM_NUTRITION, EMBED_DIM), dtype=jnp.float32)
    return {
        'uid': uid,
        'rid': rid,
        'ing': ing,
        'nut': nut,
        'user_table': user_table,
        'recipe_table': recipe_table,
        'ingredient_table': ingredient_table,
        'nutrition_table': nutrition_table,
    }


def reference(uid, rid, ing, nut, user_table, recipe_table, ingredient_table, nutrition_table):
    # paths is None -> simple branch: concat of four embedding lookups
    user_emb = jnp.take(user_table, uid, axis=0)
    recipe_emb = jnp.take(recipe_table, rid, axis=0)
    ingredient_emb = jnp.take(ingredient_table, ing, axis=0)
    nutrition_emb = jnp.take(nutrition_table, nut, axis=0)
    node_embeddings = jnp.concatenate((user_emb, recipe_emb, ingredient_emb, nutrition_emb), axis=1)
    return node_embeddings

if __name__ == "__main__":
    import jax
    _d = setup_inputs()
    print(jax.jit(kernel)(*tuple(_d.values())))

</pallas_src>

<mosaic_0001>
#map = affine_map<(d0, d1) -> (0, 0)>
#map1 = affine_map<(d0, d1) -> (0, 0, 0)>
module attributes {stable_mosaic.version = 14 : i64} {
  func.func @gather_kernel(%arg0: i32, %arg1: i32, %arg2: memref<1000000x32xf32, #tpu.memory_space<hbm>>, %arg3: memref<1000000x32xf32, #tpu.memory_space<hbm>>, %arg4: memref<100000x32xf32, #tpu.memory_space<hbm>>, %arg5: memref<1000x32xf32, #tpu.memory_space<hbm>>, %arg6: memref<32x4x128xi32, #tpu.memory_space<hbm>>, %arg7: memref<32x4x128xi32, #tpu.memory_space<hbm>>, %arg8: memref<32x4x128xi32, #tpu.memory_space<hbm>>, %arg9: memref<32x4x128xi32, #tpu.memory_space<hbm>>, %arg10: memref<16384x128xf32, #tpu.memory_space<hbm>>, %arg11: memref<4x128xi32, #tpu.memory_space<vmem>>, %arg12: memref<4x128xi32, #tpu.memory_space<vmem>>, %arg13: memref<4x128xi32, #tpu.memory_space<vmem>>, %arg14: memref<4x128xi32, #tpu.memory_space<vmem>>, %arg15: memref<512x32xf32, #tpu.memory_space<vmem>>, %arg16: memref<512x32xf32, #tpu.memory_space<vmem>>, %arg17: memref<512x32xf32, #tpu.memory_space<vmem>>, %arg18: memref<512x32xf32, #tpu.memory_space<vmem>>, %arg19: memref<!tpu.dma_semaphore, #tpu.memory_space<semaphore_mem>>) attributes {dimension_semantics = [#tpu.dimension_semantics<core_parallel>, #tpu.dimension_semantics<subcore_parallel>], iteration_bounds = array<i64: 2, 16>, scalar_prefetch = 0 : i64, scratch_operands = 9 : i64, tpu.core_type = #tpu.core_type<sc_vector_subcore>, window_params = [{transform_indices = #map}, {transform_indices = #map}, {transform_indices = #map}, {transform_indices = #map}, {transform_indices = #map1}, {transform_indices = #map1}, {transform_indices = #map1}, {transform_indices = #map1}, {transform_indices = #map}]} {
    %mul3A = arith.constant 2 : i32
    %mul3A_0 = arith.muli %arg1, %mul3A : i32
    %add3A = arith.addi %mul3A_0, %arg0 : i32
    %mul3A_1 = arith.constant 512 : i32
    %mul3A_2 = arith.muli %add3A, %mul3A_1 : i32
    "tpu.region"() ({
      %run_scoped3A = tpu.sem_alloc : memref<!tpu.dma_semaphore, #tpu.memory_space<semaphore_mem>>
      %dma_start3A_321 = arith.constant 0 : i32
      %dma_start3A_322 = arith.constant 0 : i32
      %dma_start3A_323 = tpu.memref_slice %arg6[%add3A, %dma_start3A_321, %dma_start3A_322] : memref<32x4x128xi32, #tpu.memory_space<hbm>> -> memref<1x4x128xi32, #tpu.memory_space<hbm>>
      %dma_start3A_324 = tpu.memref_squeeze %dma_start3A_323 : memref<1x4x128xi32, #tpu.memory_space<hbm>> -> memref<4x128xi32, #tpu.memory_space<hbm>>
      %dma_start3A_325 = arith.constant 0 : i32
      %dma_start3A_326 = arith.constant 0 : i32
      %dma_start3A_327 = tpu.memref_slice %arg6[%add3A, %dma_start3A_325, %dma_start3A_326] : memref<32x4x128xi32, #tpu.memory_space<hbm>> -> memref<1x4x128xi32, #tpu.memory_space<hbm>>
      %dma_start3A_328 = tpu.memref_squeeze %dma_start3A_327 : memref<1x4x128xi32, #tpu.memory_space<hbm>> -> memref<4x128xi32, #tpu.memory_space<hbm>>
      tpu.enqueue_dma source(%dma_start3A_328 : memref<4x128xi32, #tpu.memory_space<hbm>>) target(%arg11 : memref<4x128xi32, #tpu.memory_space<vmem>>) target_semaphore(%run_scoped3A : memref<!tpu.dma_semaphore, #tpu.memory_space<semaphore_mem>>)
      %dma_wait3A_329 = arith.constant 0 : i32
      %dma_wait3A_330 = arith.constant 0 : i32
      %dma_wait3A_331 = tpu.memref_slice %arg6[%add3A, %dma_wait3A_329, %dma_wait3A_330] : memref<32x4x128xi32, #tpu.memory_space<hbm>> -> memref<1x4x128xi32, #tpu.memory_space<hbm>>
      %dma_wait3A_332 = tpu.memref_squeeze %dma_wait3A_331 : memref<1x4x128xi32, #tpu.memory_space<hbm>> -> memref<4x128xi32, #tpu.memory_space<hbm>>
      %dma_wait3A_333 = arith.constant 0 : i32
      %dma_wait3A_334 = arith.constant 0 : i32
      %dma_wait3A_335 = tpu.memref_slice %arg6[%add3A, %dma_wait3A_333, %dma_wait3A_334] : memref<32x4x128xi32, #tpu.memory_space<hbm>> -> memref<1x4x128xi32, #tpu.memory_space<hbm>>
      %dma_wait3A_336 = tpu.memref_squeeze %dma_wait3A_335 : memref<1x4x128xi32, #tpu.memory_space<hbm>> -> memref<4x128xi32, #tpu.memory_space<hbm>>
      tpu.wait_dma2 semaphore(%run_scoped3A : memref<!tpu.dma_semaphore, #tpu.memory_space<semaphore_mem>>) src(%dma_wait3A_336 : memref<4x128xi32, #tpu.memory_space<hbm>>) dst(%arg11 : memref<4x128xi32, #tpu.memory_space<vmem>>)
      tpu.yield
    }) : () -> ()
    "tpu.region"() ({
      %run_scoped3A = tpu.sem_alloc : memref<!tpu.dma_semaphore, #tpu.memory_space<semaphore_mem>>
      %dma_start3A_321 = arith.constant 0 : i32
      %dma_start3A_322 = arith.constant 0 : i32
      %dma_start3A_323 = tpu.memref_slice %arg7[%add3A, %dma_start3A_321, %dma_start3A_322] : memref<32x4x128xi32, #tpu.memory_space<hbm>> -> memref<1x4x128xi32, #tpu.memory_space<hbm>>
      %dma_start3A_324 = tpu.memref_squeeze %dma_start3A_323 : memref<1x4x128xi32, #tpu.memory_space<hbm>> -> memref<4x128xi32, #tpu.memory_space<hbm>>
      %dma_start3A_325 = arith.constant 0 : i32
      %dma_start3A_326 = arith.constant 0 : i32
      %dma_start3A_327 = tpu.memref_slice %arg7[%add3A, %dma_start3A_325, %dma_start3A_326] : memref<32x4x128xi32, #tpu.memory_space<hbm>> -> memref<1x4x128xi32, #tpu.memory_space<hbm>>
      %dma_start3A_328 = tpu.memref_squeeze %dma_start3A_327 : memref<1x4x128xi32, #tpu.memory_space<hbm>> -> memref<4x128xi32, #tpu.memory_space<hbm>>
      tpu.enqueue_dma source(%dma_start3A_328 : memref<4x128xi32, #tpu.memory_space<hbm>>) target(%arg12 : memref<4x128xi32, #tpu.memory_space<vmem>>) target_semaphore(%run_scoped3A : memref<!tpu.dma_semaphore, #tpu.memory_space<semaphore_mem>>)
      %dma_wait3A_329 = arith.constant 0 : i32
      %dma_wait3A_330 = arith.constant 0 : i32
      %dma_wait3A_331 = tpu.memref_slice %arg7[%add3A, %dma_wait3A_329, %dma_wait3A_330] : memref<32x4x128xi32, #tpu.memory_space<hbm>> -> memref<1x4x128xi32, #tpu.memory_space<hbm>>
      %dma_wait3A_332 = tpu.memref_squeeze %dma_wait3A_331 : memref<1x4x128xi32, #tpu.memory_space<hbm>> -> memref<4x128xi32, #tpu.memory_space<hbm>>
      %dma_wait3A_333 = arith.constant 0 : i32
      %dma_wait3A_334 = arith.constant 0 : i32
      %dma_wait3A_335 = tpu.memref_slice %arg7[%add3A, %dma_wait3A_333, %dma_wait3A_334] : memref<32x4x128xi32, #tpu.memory_space<hbm>> -> memref<1x4x128xi32, #tpu.memory_space<hbm>>
      %dma_wait3A_336 = tpu.memref_squeeze %dma_wait3A_335 : memref<1x4x128xi32, #tpu.memory_space<hbm>> -> memref<4x128xi32, #tpu.memory_space<hbm>>
      tpu.wait_dma2 semaphore(%run_scoped3A : memref<!tpu.dma_semaphore, #tpu.memory_space<semaphore_mem>>) src(%dma_wait3A_336 : memref<4x128xi32, #tpu.memory_space<hbm>>) dst(%arg12 : memref<4x128xi32, #tpu.memory_space<vmem>>)
      tpu.yield
    }) : () -> ()
    "tpu.region"() ({
      %run_scoped3A = tpu.sem_alloc : memref<!tpu.dma_semaphore, #tpu.memory_space<semaphore_mem>>
      %dma_start3A_321 = arith.constant 0 : i32
      %dma_start3A_322 = arith.constant 0 : i32
      %dma_start3A_323 = tpu.memref_slice %arg8[%add3A, %dma_start3A_321, %dma_start3A_322] : memref<32x4x128xi32, #tpu.memory_space<hbm>> -> memref<1x4x128xi32, #tpu.memory_space<hbm>>
      %dma_start3A_324 = tpu.memref_squeeze %dma_start3A_323 : memref<1x4x128xi32, #tpu.memory_space<hbm>> -> memref<4x128xi32, #tpu.memory_space<hbm>>
      %dma_start3A_325 = arith.constant 0 : i32
      %dma_start3A_326 = arith.constant 0 : i32
      %dma_start3A_327 = tpu.memref_slice %arg8[%add3A, %dma_start3A_325, %dma_start3A_326] : memref<32x4x128xi32, #tpu.memory_space<hbm>> -> memref<1x4x128xi32, #tpu.memory_space<hbm>>
      %dma_start3A_328 = tpu.memref_squeeze %dma_start3A_327 : memref<1x4x128xi32, #tpu.memory_space<hbm>> -> memref<4x128xi32, #tpu.memory_space<hbm>>
      tpu.enqueue_dma source(%dma_start3A_328 : memref<4x128xi32, #tpu.memory_space<hbm>>) target(%arg13 : memref<4x128xi32, #tpu.memory_space<vmem>>) target_semaphore(%run_scoped3A : memref<!tpu.dma_semaphore, #tpu.memory_space<semaphore_mem>>)
      %dma_wait3A_329 = arith.constant 0 : i32
      %dma_wait3A_330 = arith.constant 0 : i32
      %dma_wait3A_331 = tpu.memref_slice %arg8[%add3A, %dma_wait3A_329, %dma_wait3A_330] : memref<32x4x128xi32, #tpu.memory_space<hbm>> -> memref<1x4x128xi32, #tpu.memory_space<hbm>>
      %dma_wait3A_332 = tpu.memref_squeeze %dma_wait3A_331 : memref<1x4x128xi32, #tpu.memory_space<hbm>> -> memref<4x128xi32, #tpu.memory_space<hbm>>
      %dma_wait3A_333 = arith.constant 0 : i32
      %dma_wait3A_334 = arith.constant 0 : i32
      %dma_wait3A_335 = tpu.memref_slice %arg8[%add3A, %dma_wait3A_333, %dma_wait3A_334] : memref<32x4x128xi32, #tpu.memory_space<hbm>> -> memref<1x4x128xi32, #tpu.memory_space<hbm>>
      %dma_wait3A_336 = tpu.memref_squeeze %dma_wait3A_335 : memref<1x4x128xi32, #tpu.memory_space<hbm>> -> memref<4x128xi32, #tpu.memory_space<hbm>>
      tpu.wait_dma2 semaphore(%run_scoped3A : memref<!tpu.dma_semaphore, #tpu.memory_space<semaphore_mem>>) src(%dma_wait3A_336 : memref<4x128xi32, #tpu.memory_space<hbm>>) dst(%arg13 : memref<4x128xi32, #tpu.memory_space<vmem>>)
      tpu.yield
    }) : () -> ()
    "tpu.region"() ({
      %run_scoped3A = tpu.sem_alloc : memref<!tpu.dma_semaphore, #tpu.memory_space<semaphore_mem>>
      %dma_start3A_321 = arith.constant 0 : i32
      %dma_start3A_322 = arith.constant 0 : i32
      %dma_start3A_323 = tpu.memref_slice %arg9[%add3A, %dma_start3A_321, %dma_start3A_322] : memref<32x4x128xi32, #tpu.memory_space<hbm>> -> memref<1x4x128xi32, #tpu.memory_space<hbm>>
      %dma_start3A_324 = tpu.memref_squeeze %dma_start3A_323 : memref<1x4x128xi32, #tpu.memory_space<hbm>> -> memref<4x128xi32, #tpu.memory_space<hbm>>
      %dma_start3A_325 = arith.constant 0 : i32
      %dma_start3A_326 = arith.constant 0 : i32
      %dma_start3A_327 = tpu.memref_slice %arg9[%add3A, %dma_start3A_325, %dma_start3A_326] : memref<32x4x128xi32, #tpu.memory_space<hbm>> -> memref<1x4x128xi32, #tpu.memory_space<hbm>>
      %dma_start3A_328 = tpu.memref_squeeze %dma_start3A_327 : memref<1x4x128xi32, #tpu.memory_space<hbm>> -> memref<4x128xi32, #tpu.memory_space<hbm>>
      tpu.enqueue_dma source(%dma_start3A_328 : memref<4x128xi32, #tpu.memory_space<hbm>>) target(%arg14 : memref<4x128xi32, #tpu.memory_space<vmem>>) target_semaphore(%run_scoped3A : memref<!tpu.dma_semaphore, #tpu.memory_space<semaphore_mem>>)
      %dma_wait3A_329 = arith.constant 0 : i32
      %dma_wait3A_330 = arith.constant 0 : i32
      %dma_wait3A_331 = tpu.memref_slice %arg9[%add3A, %dma_wait3A_329, %dma_wait3A_330] : memref<32x4x128xi32, #tpu.memory_space<hbm>> -> memref<1x4x128xi32, #tpu.memory_space<hbm>>
      %dma_wait3A_332 = tpu.memref_squeeze %dma_wait3A_331 : memref<1x4x128xi32, #tpu.memory_space<hbm>> -> memref<4x128xi32, #tpu.memory_space<hbm>>
      %dma_wait3A_333 = arith.constant 0 : i32
      %dma_wait3A_334 = arith.constant 0 : i32
      %dma_wait3A_335 = tpu.memref_slice %arg9[%add3A, %dma_wait3A_333, %dma_wait3A_334] : memref<32x4x128xi32, #tpu.memory_space<hbm>> -> memref<1x4x128xi32, #tpu.memory_space<hbm>>
      %dma_wait3A_336 = tpu.memref_squeeze %dma_wait3A_335 : memref<1x4x128xi32, #tpu.memory_space<hbm>> -> memref<4x128xi32, #tpu.memory_space<hbm>>
      tpu.wait_dma2 semaphore(%run_scoped3A : memref<!tpu.dma_semaphore, #tpu.memory_space<semaphore_mem>>) src(%dma_wait3A_336 : memref<4x128xi32, #tpu.memory_space<hbm>>) dst(%arg14 : memref<4x128xi32, #tpu.memory_space<vmem>>)
      tpu.yield
    }) : () -> ()
    %dma_start3A = arith.constant 0 : i32
    %dma_start3A_3 = arith.constant 0 : i32
    %dma_start3A_4 = arith.constant 0 : i32
    %dma_start3A_5 = tpu.memref_slice %arg15[%dma_start3A_3, %dma_start3A_4] : memref<512x32xf32, #tpu.memory_space<vmem>> -> memref<128x32xf32, #tpu.memory_space<vmem>>
    %dma_start3A_6 = arith.constant 0 : i32
    %dma_start3A_7 = tpu.memref_slice %arg11[%dma_start3A, %dma_start3A_6] : memref<4x128xi32, #tpu.memory_space<vmem>> -> memref<1x128xi32, #tpu.memory_space<vmem>>
    %dma_start3A_8 = tpu.memref_squeeze %dma_start3A_7 : memref<1x128xi32, #tpu.memory_space<vmem>> -> memref<128xi32, #tpu.memory_space<vmem>>
    %dma_start3A_9 = arith.constant 0 : i32
    %dma_start3A_10 = arith.constant 0 : i32
    %dma_start3A_11 = tpu.memref_slice %arg2[%dma_start3A_9, %dma_start3A_10] : memref<1000000x32xf32, #tpu.memory_space<hbm>> -> memref<1000000x32xf32, #tpu.memory_space<hbm>>
    tpu.enqueue_indirect_dma source(%dma_start3A_11 : memref<1000000x32xf32, #tpu.memory_space<hbm>>) target(%dma_start3A_5 : memref<128x32xf32, #tpu.memory_space<vmem>>) offsets(%dma_start3A_8 : memref<128xi32, #tpu.memory_space<vmem>>) semaphore(%arg19 : memref<!tpu.dma_semaphore, #tpu.memory_space<semaphore_mem>>)
    %dma_start3A_12 = arith.constant 1 : i32
    %dma_start3A_13 = arith.constant 128 : i32
    %dma_start3A_14 = arith.constant 0 : i32
    %dma_start3A_15 = tpu.memref_slice %arg15[%dma_start3A_13, %dma_start3A_14] : memref<512x32xf32, #tpu.memory_space<vmem>> -> memref<128x32xf32, #tpu.memory_space<vmem>>
    %dma_start3A_16 = arith.constant 0 : i32
    %dma_start3A_17 = tpu.memref_slice %arg11[%dma_start3A_12, %dma_start3A_16] : memref<4x128xi32, #tpu.memory_space<vmem>> -> memref<1x128xi32, #tpu.memory_space<vmem>>
    %dma_start3A_18 = tpu.memref_squeeze %dma_start3A_17 : memref<1x128xi32, #tpu.memory_space<vmem>> -> memref<128xi32, #tpu.memory_space<vmem>>
    %dma_start3A_19 = arith.constant 0 : i32
    %dma_start3A_20 = arith.constant 0 : i32
    %dma_start3A_21 = tpu.memref_slice %arg2[%dma_start3A_19, %dma_start3A_20] : memref<1000000x32xf32, #tpu.memory_space<hbm>> -> memref<1000000x32xf32, #tpu.memory_space<hbm>>
    tpu.enqueue_indirect_dma source(%dma_start3A_21 : memref<1000000x32xf32, #tpu.memory_space<hbm>>) target(%dma_start3A_15 : memref<128x32xf32, #tpu.memory_space<vmem>>) offsets(%dma_start3A_18 : memref<128xi32, #tpu.memory_space<vmem>>) semaphore(%arg19 : memref<!tpu.dma_semaphore, #tpu.memory_space<semaphore_mem>>)
    %dma_start3A_22 = arith.constant 2 : i32
    %dma_start3A_23 = arith.constant 256 : i32
    %dma_start3A_24 = arith.constant 0 : i32
    %dma_start3A_25 = tpu.memref_slice %arg15[%dma_start3A_23, %dma_start3A_24] : memref<512x32xf32, #tpu.memory_space<vmem>> -> memref<128x32xf32, #tpu.memory_space<vmem>>
    %dma_start3A_26 = arith.constant 0 : i32
    %dma_start3A_27 = tpu.memref_slice %arg11[%dma_start3A_22, %dma_start3A_26] : memref<4x128xi32, #tpu.memory_space<vmem>> -> memref<1x128xi32, #tpu.memory_space<vmem>>
    %dma_start3A_28 = tpu.memref_squeeze %dma_start3A_27 : memref<1x128xi32, #tpu.memory_space<vmem>> -> memref<128xi32, #tpu.memory_space<vmem>>
    %dma_start3A_29 = arith.constant 0 : i32
    %dma_start3A_30 = arith.constant 0 : i32
    %dma_start3A_31 = tpu.memref_slice %arg2[%dma_start3A_29, %dma_start3A_30] : memref<1000000x32xf32, #tpu.memory_space<hbm>> -> memref<1000000x32xf32, #tpu.memory_space<hbm>>
    tpu.enqueue_indirect_dma source(%dma_start3A_31 : memref<1000000x32xf32, #tpu.memory_space<hbm>>) target(%dma_start3A_25 : memref<128x32xf32, #tpu.memory_space<vmem>>) offsets(%dma_start3A_28 : memref<128xi32, #tpu.memory_space<vmem>>) semaphore(%arg19 : memref<!tpu.dma_semaphore, #tpu.memory_space<semaphore_mem>>)
    %dma_start3A_32 = arith.constant 3 : i32
    %dma_start3A_33 = arith.constant 384 : i32
    %dma_start3A_34 = arith.constant 0 : i32
    %dma_start3A_35 = tpu.memref_slice %arg15[%dma_start3A_33, %dma_start3A_34] : memref<512x32xf32, #tpu.memory_space<vmem>> -> memref<128x32xf32, #tpu.memory_space<vmem>>
    %dma_start3A_36 = arith.constant 0 : i32
    %dma_start3A_37 = tpu.memref_slice %arg11[%dma_start3A_32, %dma_start3A_36] : memref<4x128xi32, #tpu.memory_space<vmem>> -> memref<1x128xi32, #tpu.memory_space<vmem>>
    %dma_start3A_38 = tpu.memref_squeeze %dma_start3A_37 : memref<1x128xi32, #tpu.memory_space<vmem>> -> memref<128xi32, #tpu.memory_space<vmem>>
    %dma_start3A_39 = arith.constant 0 : i32
    %dma_start3A_40 = arith.constant 0 : i32
    %dma_start3A_41 = tpu.memref_slice %arg2[%dma_start3A_39, %dma_start3A_40] : memref<1000000x32xf32, #tpu.memory_space<hbm>> -> memref<1000000x32xf32, #tpu.memory_space<hbm>>
    tpu.enqueue_indirect_dma source(%dma_start3A_41 : memref<1000000x32xf32, #tpu.memory_space<hbm>>) target(%dma_start3A_35 : memref<128x32xf32, #tpu.memory_space<vmem>>) offsets(%dma_start3A_38 : memref<128xi32, #tpu.memory_space<vmem>>) semaphore(%arg19 : memref<!tpu.dma_semaphore, #tpu.memory_space<semaphore_mem>>)
    %dma_start3A_42 = arith.constant 0 : i32
    %dma_start3A_43 = arith.constant 0 : i32
    %dma_start3A_44 = arith.constant 0 : i32
    %dma_start3A_45 = tpu.memref_slice %arg16[%dma_start3A_43, %dma_start3A_44] : memref<512x32xf32, #tpu.memory_space<vmem>> -> memref<128x32xf32, #tpu.memory_space<vmem>>
    %dma_start3A_46 = arith.constant 0 : i32
    %dma_start3A_47 = tpu.memref_slice %arg12[%dma_start3A_42, %dma_start3A_46] : memref<4x128xi32, #tpu.memory_space<vmem>> -> memref<1x128xi32, #tpu.memory_space<vmem>>
    %dma_start3A_48 = tpu.memref_squeeze %dma_start3A_47 : memref<1x128xi32, #tpu.memory_space<vmem>> -> memref<128xi32, #tpu.memory_space<vmem>>
    %dma_start3A_49 = arith.constant 0 : i32
    %dma_start3A_50 = arith.constant 0 : i32
    %dma_start3A_51 = tpu.memref_slice %arg3[%dma_start3A_49, %dma_start3A_50] : memref<1000000x32xf32, #tpu.memory_space<hbm>> -> memref<1000000x32xf32, #tpu.memory_space<hbm>>
    tpu.enqueue_indirect_dma source(%dma_start3A_51 : memref<1000000x32xf32, #tpu.memory_space<hbm>>) target(%dma_start3A_45 : memref<128x32xf32, #tpu.memory_space<vmem>>) offsets(%dma_start3A_48 : memref<128xi32, #tpu.memory_space<vmem>>) semaphore(%arg19 : memref<!tpu.dma_semaphore, #tpu.memory_space<semaphore_mem>>)
    %dma_start3A_52 = arith.constant 1 : i32
    %dma_start3A_53 = arith.constant 128 : i32
    %dma_start3A_54 = arith.constant 0 : i32
    %dma_start3A_55 = tpu.memref_slice %arg16[%dma_start3A_53, %dma_start3A_54] : memref<512x32xf32, #tpu.memory_space<vmem>> -> memref<128x32xf32, #tpu.memory_space<vmem>>
    %dma_start3A_56 = arith.constant 0 : i32
    %dma_start3A_57 = tpu.memref_slice %arg12[%dma_start3A_52, %dma_start3A_56] : memref<4x128xi32, #tpu.memory_space<vmem>> -> memref<1x128xi32, #tpu.memory_space<vmem>>
    %dma_start3A_58 = tpu.memref_squeeze %dma_start3A_57 : memref<1x128xi32, #tpu.memory_space<vmem>> -> memref<128xi32, #tpu.memory_space<vmem>>
    %dma_start3A_59 = arith.constant 0 : i32
    %dma_start3A_60 = arith.constant 0 : i32
    %dma_start3A_61 = tpu.memref_slice %arg3[%dma_start3A_59, %dma_start3A_60] : memref<1000000x32xf32, #tpu.memory_space<hbm>> -> memref<1000000x32xf32, #tpu.memory_space<hbm>>
    tpu.enqueue_indirect_dma source(%dma_start3A_61 : memref<1000000x32xf32, #tpu.memory_space<hbm>>) target(%dma_start3A_55 : memref<128x32xf32, #tpu.memory_space<vmem>>) offsets(%dma_start3A_58 : memref<128xi32, #tpu.memory_space<vmem>>) semaphore(%arg19 : memref<!tpu.dma_semaphore, #tpu.memory_space<semaphore_mem>>)
    %dma_start3A_62 = arith.constant 2 : i32
    %dma_start3A_63 = arith.constant 256 : i32
    %dma_start3A_64 = arith.constant 0 : i32
    %dma_start3A_65 = tpu.memref_slice %arg16[%dma_start3A_63, %dma_start3A_64] : memref<512x32xf32, #tpu.memory_space<vmem>> -> memref<128x32xf32, #tpu.memory_space<vmem>>
    %dma_start3A_66 = arith.constant 0 : i32
    %dma_start3A_67 = tpu.memref_slice %arg12[%dma_start3A_62, %dma_start3A_66] : memref<4x128xi32, #tpu.memory_space<vmem>> -> memref<1x128xi32, #tpu.memory_space<vmem>>
    %dma_start3A_68 = tpu.memref_squeeze %dma_start3A_67 : memref<1x128xi32, #tpu.memory_space<vmem>> -> memref<128xi32, #tpu.memory_space<vmem>>
    %dma_start3A_69 = arith.constant 0 : i32
    %dma_start3A_70 = arith.constant 0 : i32
    %dma_start3A_71 = tpu.memref_slice %arg3[%dma_start3A_69, %dma_start3A_70] : memref<1000000x32xf32, #tpu.memory_space<hbm>> -> memref<1000000x32xf32, #tpu.memory_space<hbm>>
    tpu.enqueue_indirect_dma source(%dma_start3A_71 : memref<1000000x32xf32, #tpu.memory_space<hbm>>) target(%dma_start3A_65 : memref<128x32xf32, #tpu.memory_space<vmem>>) offsets(%dma_start3A_68 : memref<128xi32, #tpu.memory_space<vmem>>) semaphore(%arg19 : memref<!tpu.dma_semaphore, #tpu.memory_space<semaphore_mem>>)
    %dma_start3A_72 = arith.constant 3 : i32
    %dma_start3A_73 = arith.constant 384 : i32
    %dma_start3A_74 = arith.constant 0 : i32
    %dma_start3A_75 = tpu.memref_slice %arg16[%dma_start3A_73, %dma_start3A_74] : memref<512x32xf32, #tpu.memory_space<vmem>> -> memref<128x32xf32, #tpu.memory_space<vmem>>
    %dma_start3A_76 = arith.constant 0 : i32
    %dma_start3A_77 = tpu.memref_slice %arg12[%dma_start3A_72, %dma_start3A_76] : memref<4x128xi32, #tpu.memory_space<vmem>> -> memref<1x128xi32, #tpu.memory_space<vmem>>
    %dma_start3A_78 = tpu.memref_squeeze %dma_start3A_77 : memref<1x128xi32, #tpu.memory_space<vmem>> -> memref<128xi32, #tpu.memory_space<vmem>>
    %dma_start3A_79 = arith.constant 0 : i32
    %dma_start3A_80 = arith.constant 0 : i32
    %dma_start3A_81 = tpu.memref_slice %arg3[%dma_start3A_79, %dma_start3A_80] : memref<1000000x32xf32, #tpu.memory_space<hbm>> -> memref<1000000x32xf32, #tpu.memory_space<hbm>>
    tpu.enqueue_indirect_dma source(%dma_start3A_81 : memref<1000000x32xf32, #tpu.memory_space<hbm>>) target(%dma_start3A_75 : memref<128x32xf32, #tpu.memory_space<vmem>>) offsets(%dma_start3A_78 : memref<128xi32, #tpu.memory_space<vmem>>) semaphore(%arg19 : memref<!tpu.dma_semaphore, #tpu.memory_space<semaphore_mem>>)
    %dma_start3A_82 = arith.constant 0 : i32
    %dma_start3A_83 = arith.constant 0 : i32
    %dma_start3A_84 = arith.constant 0 : i32
    %dma_start3A_85 = tpu.memref_slice %arg17[%dma_start3A_83, %dma_start3A_84] : memref<512x32xf32, #tpu.memory_space<vmem>> -> memref<128x32xf32, #tpu.memory_space<vmem>>
    %dma_start3A_86 = arith.constant 0 : i32
    %dma_start3A_87 = tpu.memref_slice %arg13[%dma_start3A_82, %dma_start3A_86] : memref<4x128xi32, #tpu.memory_space<vmem>> -> memref<1x128xi32, #tpu.memory_space<vmem>>
    %dma_start3A_88 = tpu.memref_squeeze %dma_start3A_87 : memref<1x128xi32, #tpu.memory_space<vmem>> -> memref<128xi32, #tpu.memory_space<vmem>>
    %dma_start3A_89 = arith.constant 0 : i32
    %dma_start3A_90 = arith.constant 0 : i32
    %dma_start3A_91 = tpu.memref_slice %arg4[%dma_start3A_89, %dma_start3A_90] : memref<100000x32xf32, #tpu.memory_space<hbm>> -> memref<100000x32xf32, #tpu.memory_space<hbm>>
    tpu.enqueue_indirect_dma source(%dma_start3A_91 : memref<100000x32xf32, #tpu.memory_space<hbm>>) target(%dma_start3A_85 : memref<128x32xf32, #tpu.memory_space<vmem>>) offsets(%dma_start3A_88 : memref<128xi32, #tpu.memory_space<vmem>>) semaphore(%arg19 : memref<!tpu.dma_semaphore, #tpu.memory_space<semaphore_mem>>)
    %dma_start3A_92 = arith.constant 1 : i32
    %dma_start3A_93 = arith.constant 128 : i32
    %dma_start3A_94 = arith.constant 0 : i32
    %dma_start3A_95 = tpu.memref_slice %arg17[%dma_start3A_93, %dma_start3A_94] : memref<512x32xf32, #tpu.memory_space<vmem>> -> memref<128x32xf32, #tpu.memory_space<vmem>>
    %dma_start3A_96 = arith.constant 0 : i32
    %dma_start3A_97 = tpu.memref_slice %arg13[%dma_start3A_92, %dma_start3A_96] : memref<4x128xi32, #tpu.memory_space<vmem>> -> memref<1x128xi32, #tpu.memory_space<vmem>>
    %dma_start3A_98 = tpu.memref_squeeze %dma_start3A_97 : memref<1x128xi32, #tpu.memory_space<vmem>> -> memref<128xi32, #tpu.memory_space<vmem>>
    %dma_start3A_99 = arith.constant 0 : i32
    %dma_start3A_100 = arith.constant 0 : i32
    %dma_start3A_101 = tpu.memref_slice %arg4[%dma_start3A_99, %dma_start3A_100] : memref<100000x32xf32, #tpu.memory_space<hbm>> -> memref<100000x32xf32, #tpu.memory_space<hbm>>
    tpu.enqueue_indirect_dma source(%dma_start3A_101 : memref<100000x32xf32, #tpu.memory_space<hbm>>) target(%dma_start3A_95 : memref<128x32xf32, #tpu.memory_space<vmem>>) offsets(%dma_start3A_98 : memref<128xi32, #tpu.memory_space<vmem>>) semaphore(%arg19 : memref<!tpu.dma_semaphore, #tpu.memory_space<semaphore_mem>>)
    %dma_start3A_102 = arith.constant 2 : i32
    %dma_start3A_103 = arith.constant 256 : i32
    %dma_start3A_104 = arith.constant 0 : i32
    %dma_start3A_105 = tpu.memref_slice %arg17[%dma_start3A_103, %dma_start3A_104] : memref<512x32xf32, #tpu.memory_space<vmem>> -> memref<128x32xf32, #tpu.memory_space<vmem>>
    %dma_start3A_106 = arith.constant 0 : i32
    %dma_start3A_107 = tpu.memref_slice %arg13[%dma_start3A_102, %dma_start3A_106] : memref<4x128xi32, #tpu.memory_space<vmem>> -> memref<1x128xi32, #tpu.memory_space<vmem>>
    %dma_start3A_108 = tpu.memref_squeeze %dma_start3A_107 : memref<1x128xi32, #tpu.memory_space<vmem>> -> memref<128xi32, #tpu.memory_space<vmem>>
    %dma_start3A_109 = arith.constant 0 : i32
    %dma_start3A_110 = arith.constant 0 : i32
    %dma_start3A_111 = tpu.memref_slice %arg4[%dma_start3A_109, %dma_start3A_110] : memref<100000x32xf32, #tpu.memory_space<hbm>> -> memref<100000x32xf32, #tpu.memory_space<hbm>>
    tpu.enqueue_indirect_dma source(%dma_start3A_111 : memref<100000x32xf32, #tpu.memory_space<hbm>>) target(%dma_start3A_105 : memref<128x32xf32, #tpu.memory_space<vmem>>) offsets(%dma_start3A_108 : memref<128xi32, #tpu.memory_space<vmem>>) semaphore(%arg19 : memref<!tpu.dma_semaphore, #tpu.memory_space<semaphore_mem>>)
    %dma_start3A_112 = arith.constant 3 : i32
    %dma_start3A_113 = arith.constant 384 : i32
    %dma_start3A_114 = arith.constant 0 : i32
    %dma_start3A_115 = tpu.memref_slice %arg17[%dma_start3A_113, %dma_start3A_114] : memref<512x32xf32, #tpu.memory_space<vmem>> -> memref<128x32xf32, #tpu.memory_space<vmem>>
    %dma_start3A_116 = arith.constant 0 : i32
    %dma_start3A_117 = tpu.memref_slice %arg13[%dma_start3A_112, %dma_start3A_116] : memref<4x128xi32, #tpu.memory_space<vmem>> -> memref<1x128xi32, #tpu.memory_space<vmem>>
    %dma_start3A_118 = tpu.memref_squeeze %dma_start3A_117 : memref<1x128xi32, #tpu.memory_space<vmem>> -> memref<128xi32, #tpu.memory_space<vmem>>
    %dma_start3A_119 = arith.constant 0 : i32
    %dma_start3A_120 = arith.constant 0 : i32
    %dma_start3A_121 = tpu.memref_slice %arg4[%dma_start3A_119, %dma_start3A_120] : memref<100000x32xf32, #tpu.memory_space<hbm>> -> memref<100000x32xf32, #tpu.memory_space<hbm>>
    tpu.enqueue_indirect_dma source(%dma_start3A_121 : memref<100000x32xf32, #tpu.memory_space<hbm>>) target(%dma_start3A_115 : memref<128x32xf32, #tpu.memory_space<vmem>>) offsets(%dma_start3A_118 : memref<128xi32, #tpu.memory_space<vmem>>) semaphore(%arg19 : memref<!tpu.dma_semaphore, #tpu.memory_space<semaphore_mem>>)
    %dma_start3A_122 = arith.constant 0 : i32
    %dma_start3A_123 = arith.constant 0 : i32
    %dma_start3A_124 = arith.constant 0 : i32
    %dma_start3A_125 = tpu.memref_slice %arg18[%dma_start3A_123, %dma_start3A_124] : memref<512x32xf32, #tpu.memory_space<vmem>> -> memref<128x32xf32, #tpu.memory_space<vmem>>
    %dma_start3A_126 = arith.constant 0 : i32
    %dma_start3A_127 = tpu.memref_slice %arg14[%dma_start3A_122, %dma_start3A_126] : memref<4x128xi32, #tpu.memory_space<vmem>> -> memref<1x128xi32, #tpu.memory_space<vmem>>
    %dma_start3A_128 = tpu.memref_squeeze %dma_start3A_127 : memref<1x128xi32, #tpu.memory_space<vmem>> -> memref<128xi32, #tpu.memory_space<vmem>>
    %dma_start3A_129 = arith.constant 0 : i32
    %dma_start3A_130 = arith.constant 0 : i32
    %dma_start3A_131 = tpu.memref_slice %arg5[%dma_start3A_129, %dma_start3A_130] : memref<1000x32xf32, #tpu.memory_space<hbm>> -> memref<1000x32xf32, #tpu.memory_space<hbm>>
    tpu.enqueue_indirect_dma source(%dma_start3A_131 : memref<1000x32xf32, #tpu.memory_space<hbm>>) target(%dma_start3A_125 : memref<128x32xf32, #tpu.memory_space<vmem>>) offsets(%dma_start3A_128 : memref<128xi32, #tpu.memory_space<vmem>>) semaphore(%arg19 : memref<!tpu.dma_semaphore, #tpu.memory_space<semaphore_mem>>)
    %dma_start3A_132 = arith.constant 1 : i32
    %dma_start3A_133 = arith.constant 128 : i32
    %dma_start3A_134 = arith.constant 0 : i32
    %dma_start3A_135 = tpu.memref_slice %arg18[%dma_start3A_133, %dma_start3A_134] : memref<512x32xf32, #tpu.memory_space<vmem>> -> memref<128x32xf32, #tpu.memory_space<vmem>>
    %dma_start3A_136 = arith.constant 0 : i32
    %dma_start3A_137 = tpu.memref_slice %arg14[%dma_start3A_132, %dma_start3A_136] : memref<4x128xi32, #tpu.memory_space<vmem>> -> memref<1x128xi32, #tpu.memory_space<vmem>>
    %dma_start3A_138 = tpu.memref_squeeze %dma_start3A_137 : memref<1x128xi32, #tpu.memory_space<vmem>> -> memref<128xi32, #tpu.memory_space<vmem>>
    %dma_start3A_139 = arith.constant 0 : i32
    %dma_start3A_140 = arith.constant 0 : i32
    %dma_start3A_141 = tpu.memref_slice %arg5[%dma_start3A_139, %dma_start3A_140] : memref<1000x32xf32, #tpu.memory_space<hbm>> -> memref<1000x32xf32, #tpu.memory_space<hbm>>
    tpu.enqueue_indirect_dma source(%dma_start3A_141 : memref<1000x32xf32, #tpu.memory_space<hbm>>) target(%dma_start3A_135 : memref<128x32xf32, #tpu.memory_space<vmem>>) offsets(%dma_start3A_138 : memref<128xi32, #tpu.memory_space<vmem>>) semaphore(%arg19 : memref<!tpu.dma_semaphore, #tpu.memory_space<semaphore_mem>>)
    %dma_start3A_142 = arith.constant 2 : i32
    %dma_start3A_143 = arith.constant 256 : i32
    %dma_start3A_144 = arith.constant 0 : i32
    %dma_start3A_145 = tpu.memref_slice %arg18[%dma_start3A_143, %dma_start3A_144] : memref<512x32xf32, #tpu.memory_space<vmem>> -> memref<128x32xf32, #tpu.memory_space<vmem>>
    %dma_start3A_146 = arith.constant 0 : i32
    %dma_start3A_147 = tpu.memref_slice %arg14[%dma_start3A_142, %dma_start3A_146] : memref<4x128xi32, #tpu.memory_space<vmem>> -> memref<1x128xi32, #tpu.memory_space<vmem>>
    %dma_start3A_148 = tpu.memref_squeeze %dma_start3A_147 : memref<1x128xi32, #tpu.memory_space<vmem>> -> memref<128xi32, #tpu.memory_space<vmem>>
    %dma_start3A_149 = arith.constant 0 : i32
    %dma_start3A_150 = arith.constant 0 : i32
    %dma_start3A_151 = tpu.memref_slice %arg5[%dma_start3A_149, %dma_start3A_150] : memref<1000x32xf32, #tpu.memory_space<hbm>> -> memref<1000x32xf32, #tpu.memory_space<hbm>>
    tpu.enqueue_indirect_dma source(%dma_start3A_151 : memref<1000x32xf32, #tpu.memory_space<hbm>>) target(%dma_start3A_145 : memref<128x32xf32, #tpu.memory_space<vmem>>) offsets(%dma_start3A_148 : memref<128xi32, #tpu.memory_space<vmem>>) semaphore(%arg19 : memref<!tpu.dma_semaphore, #tpu.memory_space<semaphore_mem>>)
    %dma_start3A_152 = arith.constant 3 : i32
    %dma_start3A_153 = arith.constant 384 : i32
    %dma_start3A_154 = arith.constant 0 : i32
    %dma_start3A_155 = tpu.memref_slice %arg18[%dma_start3A_153, %dma_start3A_154] : memref<512x32xf32, #tpu.memory_space<vmem>> -> memref<128x32xf32, #tpu.memory_space<vmem>>
    %dma_start3A_156 = arith.constant 0 : i32
    %dma_start3A_157 = tpu.memref_slice %arg14[%dma_start3A_152, %dma_start3A_156] : memref<4x128xi32, #tpu.memory_space<vmem>> -> memref<1x128xi32, #tpu.memory_space<vmem>>
    %dma_start3A_158 = tpu.memref_squeeze %dma_start3A_157 : memref<1x128xi32, #tpu.memory_space<vmem>> -> memref<128xi32, #tpu.memory_space<vmem>>
    %dma_start3A_159 = arith.constant 0 : i32
    %dma_start3A_160 = arith.constant 0 : i32
    %dma_start3A_161 = tpu.memref_slice %arg5[%dma_start3A_159, %dma_start3A_160] : memref<1000x32xf32, #tpu.memory_space<hbm>> -> memref<1000x32xf32, #tpu.memory_space<hbm>>
    tpu.enqueue_indirect_dma source(%dma_start3A_161 : memref<1000x32xf32, #tpu.memory_space<hbm>>) target(%dma_start3A_155 : memref<128x32xf32, #tpu.memory_space<vmem>>) offsets(%dma_start3A_158 : memref<128xi32, #tpu.memory_space<vmem>>) semaphore(%arg19 : memref<!tpu.dma_semaphore, #tpu.memory_space<semaphore_mem>>)
    %dma_wait3A = arith.constant 0 : i32
    %dma_wait3A_162 = arith.constant 0 : i32
    %dma_wait3A_163 = arith.constant 0 : i32
    %dma_wait3A_164 = tpu.memref_slice %arg15[%dma_wait3A_162, %dma_wait3A_163] : memref<512x32xf32, #tpu.memory_space<vmem>> -> memref<128x32xf32, #tpu.memory_space<vmem>>
    %dma_wait3A_165 = arith.constant 0 : i32
    %dma_wait3A_166 = tpu.memref_slice %arg11[%dma_wait3A, %dma_wait3A_165] : memref<4x128xi32, #tpu.memory_space<vmem>> -> memref<1x128xi32, #tpu.memory_space<vmem>>
    %dma_wait3A_167 = tpu.memref_squeeze %dma_wait3A_166 : memref<1x128xi32, #tpu.memory_space<vmem>> -> memref<128xi32, #tpu.memory_space<vmem>>
    %dma_wait3A_168 = arith.constant 0 : i32
    %dma_wait3A_169 = arith.constant 0 : i32
    %dma_wait3A_170 = tpu.memref_slice %arg2[%dma_wait3A_168, %dma_wait3A_169] : memref<1000000x32xf32, #tpu.memory_space<hbm>> -> memref<1000000x32xf32, #tpu.memory_space<hbm>>
    tpu.wait_indirect_dma semaphore(%arg19 : memref<!tpu.dma_semaphore, #tpu.memory_space<semaphore_mem>>) src(%dma_wait3A_170 : memref<1000000x32xf32, #tpu.memory_space<hbm>>) dst(%dma_wait3A_164 : memref<128x32xf32, #tpu.memory_space<vmem>>)
    %dma_wait3A_171 = arith.constant 1 : i32
    %dma_wait3A_172 = arith.constant 128 : i32
    %dma_wait3A_173 = arith.constant 0 : i32
    %dma_wait3A_174 = tpu.memref_slice %arg15[%dma_wait3A_172, %dma_wait3A_173] : memref<512x32xf32, #tpu.memory_space<vmem>> -> memref<128x32xf32, #tpu.memory_space<vmem>>
    %dma_wait3A_175 = arith.constant 0 : i32
    %dma_wait3A_176 = tpu.memref_slice %arg11[%dma_wait3A_171, %dma_wait3A_175] : memref<4x128xi32, #tpu.memory_space<vmem>> -> memref<1x128xi32, #tpu.memory_space<vmem>>
    %dma_wait3A_177 = tpu.memref_squeeze %dma_wait3A_176 : memref<1x128xi32, #tpu.memory_space<vmem>> -> memref<128xi32, #tpu.memory_space<vmem>>
    %dma_wait3A_178 = arith.constant 0 : i32
    %dma_wait3A_179 = arith.constant 0 : i32
    %dma_wait3A_180 = tpu.memref_slice %arg2[%dma_wait3A_178, %dma_wait3A_179] : memref<1000000x32xf32, #tpu.memory_space<hbm>> -> memref<1000000x32xf32, #tpu.memory_space<hbm>>
    tpu.wait_indirect_dma semaphore(%arg19 : memref<!tpu.dma_semaphore, #tpu.memory_space<semaphore_mem>>) src(%dma_wait3A_180 : memref<1000000x32xf32, #tpu.memory_space<hbm>>) dst(%dma_wait3A_174 : memref<128x32xf32, #tpu.memory_space<vmem>>)
    %dma_wait3A_181 = arith.constant 2 : i32
    %dma_wait3A_182 = arith.constant 256 : i32
    %dma_wait3A_183 = arith.constant 0 : i32
    %dma_wait3A_184 = tpu.memref_slice %arg15[%dma_wait3A_182, %dma_wait3A_183] : memref<512x32xf32, #tpu.memory_space<vmem>> -> memref<128x32xf32, #tpu.memory_space<vmem>>
    %dma_wait3A_185 = arith.constant 0 : i32
    %dma_wait3A_186 = tpu.memref_slice %arg11[%dma_wait3A_181, %dma_wait3A_185] : memref<4x128xi32, #tpu.memory_space<vmem>> -> memref<1x128xi32, #tpu.memory_space<vmem>>
    %dma_wait3A_187 = tpu.memref_squeeze %dma_wait3A_186 : memref<1x128xi32, #tpu.memory_space<vmem>> -> memref<128xi32, #tpu.memory_space<vmem>>
    %dma_wait3A_188 = arith.constant 0 : i32
    %dma_wait3A_189 = arith.constant 0 : i32
    %dma_wait3A_190 = tpu.memref_slice %arg2[%dma_wait3A_188, %dma_wait3A_189] : memref<1000000x32xf32, #tpu.memory_space<hbm>> -> memref<1000000x32xf32, #tpu.memory_space<hbm>>
    tpu.wait_indirect_dma semaphore(%arg19 : memref<!tpu.dma_semaphore, #tpu.memory_space<semaphore_mem>>) src(%dma_wait3A_190 : memref<1000000x32xf32, #tpu.memory_space<hbm>>) dst(%dma_wait3A_184 : memref<128x32xf32, #tpu.memory_space<vmem>>)
    %dma_wait3A_191 = arith.constant 3 : i32
    %dma_wait3A_192 = arith.constant 384 : i32
    %dma_wait3A_193 = arith.constant 0 : i32
    %dma_wait3A_194 = tpu.memref_slice %arg15[%dma_wait3A_192, %dma_wait3A_193] : memref<512x32xf32, #tpu.memory_space<vmem>> -> memref<128x32xf32, #tpu.memory_space<vmem>>
    %dma_wait3A_195 = arith.constant 0 : i32
    %dma_wait3A_196 = tpu.memref_slice %arg11[%dma_wait3A_191, %dma_wait3A_195] : memref<4x128xi32, #tpu.memory_space<vmem>> -> memref<1x128xi32, #tpu.memory_space<vmem>>
    %dma_wait3A_197 = tpu.memref_squeeze %dma_wait3A_196 : memref<1x128xi32, #tpu.memory_space<vmem>> -> memref<128xi32, #tpu.memory_space<vmem>>
    %dma_wait3A_198 = arith.constant 0 : i32
    %dma_wait3A_199 = arith.constant 0 : i32
    %dma_wait3A_200 = tpu.memref_slice %arg2[%dma_wait3A_198, %dma_wait3A_199] : memref<1000000x32xf32, #tpu.memory_space<hbm>> -> memref<1000000x32xf32, #tpu.memory_space<hbm>>
    tpu.wait_indirect_dma semaphore(%arg19 : memref<!tpu.dma_semaphore, #tpu.memory_space<semaphore_mem>>) src(%dma_wait3A_200 : memref<1000000x32xf32, #tpu.memory_space<hbm>>) dst(%dma_wait3A_194 : memref<128x32xf32, #tpu.memory_space<vmem>>)
    %dma_wait3A_201 = arith.constant 0 : i32
    %dma_wait3A_202 = arith.constant 0 : i32
    %dma_wait3A_203 = arith.constant 0 : i32
    %dma_wait3A_204 = tpu.memref_slice %arg16[%dma_wait3A_202, %dma_wait3A_203] : memref<512x32xf32, #tpu.memory_space<vmem>> -> memref<128x32xf32, #tpu.memory_space<vmem>>
    %dma_wait3A_205 = arith.constant 0 : i32
    %dma_wait3A_206 = tpu.memref_slice %arg12[%dma_wait3A_201, %dma_wait3A_205] : memref<4x128xi32, #tpu.memory_space<vmem>> -> memref<1x128xi32, #tpu.memory_space<vmem>>
    %dma_wait3A_207 = tpu.memref_squeeze %dma_wait3A_206 : memref<1x128xi32, #tpu.memory_space<vmem>> -> memref<128xi32, #tpu.memory_space<vmem>>
    %dma_wait3A_208 = arith.constant 0 : i32
    %dma_wait3A_209 = arith.constant 0 : i32
    %dma_wait3A_210 = tpu.memref_slice %arg3[%dma_wait3A_208, %dma_wait3A_209] : memref<1000000x32xf32, #tpu.memory_space<hbm>> -> memref<1000000x32xf32, #tpu.memory_space<hbm>>
    tpu.wait_indirect_dma semaphore(%arg19 : memref<!tpu.dma_semaphore, #tpu.memory_space<semaphore_mem>>) src(%dma_wait3A_210 : memref<1000000x32xf32, #tpu.memory_space<hbm>>) dst(%dma_wait3A_204 : memref<128x32xf32, #tpu.memory_space<vmem>>)
    %dma_wait3A_211 = arith.constant 1 : i32
    %dma_wait3A_212 = arith.constant 128 : i32
    %dma_wait3A_213 = arith.constant 0 : i32
    %dma_wait3A_214 = tpu.memref_slice %arg16[%dma_wait3A_212, %dma_wait3A_213] : memref<512x32xf32, #tpu.memory_space<vmem>> -> memref<128x32xf32, #tpu.memory_space<vmem>>
    %dma_wait3A_215 = arith.constant 0 : i32
    %dma_wait3A_216 = tpu.memref_slice %arg12[%dma_wait3A_211, %dma_wait3A_215] : memref<4x128xi32, #tpu.memory_space<vmem>> -> memref<1x128xi32, #tpu.memory_space<vmem>>
    %dma_wait3A_217 = tpu.memref_squeeze %dma_wait3A_216 : memref<1x128xi32, #tpu.memory_space<vmem>> -> memref<128xi32, #tpu.memory_space<vmem>>
    %dma_wait3A_218 = arith.constant 0 : i32
    %dma_wait3A_219 = arith.constant 0 : i32
    %dma_wait3A_220 = tpu.memref_slice %arg3[%dma_wait3A_218, %dma_wait3A_219] : memref<1000000x32xf32, #tpu.memory_space<hbm>> -> memref<1000000x32xf32, #tpu.memory_space<hbm>>
    tpu.wait_indirect_dma semaphore(%arg19 : memref<!tpu.dma_semaphore, #tpu.memory_space<semaphore_mem>>) src(%dma_wait3A_220 : memref<1000000x32xf32, #tpu.memory_space<hbm>>) dst(%dma_wait3A_214 : memref<128x32xf32, #tpu.memory_space<vmem>>)
    %dma_wait3A_221 = arith.constant 2 : i32
    %dma_wait3A_222 = arith.constant 256 : i32
    %dma_wait3A_223 = arith.constant 0 : i32
    %dma_wait3A_224 = tpu.memref_slice %arg16[%dma_wait3A_222, %dma_wait3A_223] : memref<512x32xf32, #tpu.memory_space<vmem>> -> memref<128x32xf32, #tpu.memory_space<vmem>>
    %dma_wait3A_225 = arith.constant 0 : i32
    %dma_wait3A_226 = tpu.memref_slice %arg12[%dma_wait3A_221, %dma_wait3A_225] : memref<4x128xi32, #tpu.memory_space<vmem>> -> memref<1x128xi32, #tpu.memory_space<vmem>>
    %dma_wait3A_227 = tpu.memref_squeeze %dma_wait3A_226 : memref<1x128xi32, #tpu.memory_space<vmem>> -> memref<128xi32, #tpu.memory_space<vmem>>
    %dma_wait3A_228 = arith.constant 0 : i32
    %dma_wait3A_229 = arith.constant 0 : i32
    %dma_wait3A_230 = tpu.memref_slice %arg3[%dma_wait3A_228, %dma_wait3A_229] : memref<1000000x32xf32, #tpu.memory_space<hbm>> -> memref<1000000x32xf32, #tpu.memory_space<hbm>>
    tpu.wait_indirect_dma semaphore(%arg19 : memref<!tpu.dma_semaphore, #tpu.memory_space<semaphore_mem>>) src(%dma_wait3A_230 : memref<1000000x32xf32, #tpu.memory_space<hbm>>) dst(%dma_wait3A_224 : memref<128x32xf32, #tpu.memory_space<vmem>>)
    %dma_wait3A_231 = arith.constant 3 : i32
    %dma_wait3A_232 = arith.constant 384 : i32
    %dma_wait3A_233 = arith.constant 0 : i32
    %dma_wait3A_234 = tpu.memref_slice %arg16[%dma_wait3A_232, %dma_wait3A_233] : memref<512x32xf32, #tpu.memory_space<vmem>> -> memref<128x32xf32, #tpu.memory_space<vmem>>
    %dma_wait3A_235 = arith.constant 0 : i32
    %dma_wait3A_236 = tpu.memref_slice %arg12[%dma_wait3A_231, %dma_wait3A_235] : memref<4x128xi32, #tpu.memory_space<vmem>> -> memref<1x128xi32, #tpu.memory_space<vmem>>
    %dma_wait3A_237 = tpu.memref_squeeze %dma_wait3A_236 : memref<1x128xi32, #tpu.memory_space<vmem>> -> memref<128xi32, #tpu.memory_space<vmem>>
    %dma_wait3A_238 = arith.constant 0 : i32
    %dma_wait3A_239 = arith.constant 0 : i32
    %dma_wait3A_240 = tpu.memref_slice %arg3[%dma_wait3A_238, %dma_wait3A_239] : memref<1000000x32xf32, #tpu.memory_space<hbm>> -> memref<1000000x32xf32, #tpu.memory_space<hbm>>
    tpu.wait_indirect_dma semaphore(%arg19 : memref<!tpu.dma_semaphore, #tpu.memory_space<semaphore_mem>>) src(%dma_wait3A_240 : memref<1000000x32xf32, #tpu.memory_space<hbm>>) dst(%dma_wait3A_234 : memref<128x32xf32, #tpu.memory_space<vmem>>)
    %dma_wait3A_241 = arith.constant 0 : i32
    %dma_wait3A_242 = arith.constant 0 : i32
    %dma_wait3A_243 = arith.constant 0 : i32
    %dma_wait3A_244 = tpu.memref_slice %arg17[%dma_wait3A_242, %dma_wait3A_243] : memref<512x32xf32, #tpu.memory_space<vmem>> -> memref<128x32xf32, #tpu.memory_space<vmem>>
    %dma_wait3A_245 = arith.constant 0 : i32
    %dma_wait3A_246 = tpu.memref_slice %arg13[%dma_wait3A_241, %dma_wait3A_245] : memref<4x128xi32, #tpu.memory_space<vmem>> -> memref<1x128xi32, #tpu.memory_space<vmem>>
    %dma_wait3A_247 = tpu.memref_squeeze %dma_wait3A_246 : memref<1x128xi32, #tpu.memory_space<vmem>> -> memref<128xi32, #tpu.memory_space<vmem>>
    %dma_wait3A_248 = arith.constant 0 : i32
    %dma_wait3A_249 = arith.constant 0 : i32
    %dma_wait3A_250 = tpu.memref_slice %arg4[%dma_wait3A_248, %dma_wait3A_249] : memref<100000x32xf32, #tpu.memory_space<hbm>> -> memref<100000x32xf32, #tpu.memory_space<hbm>>
    tpu.wait_indirect_dma semaphore(%arg19 : memref<!tpu.dma_semaphore, #tpu.memory_space<semaphore_mem>>) src(%dma_wait3A_250 : memref<100000x32xf32, #tpu.memory_space<hbm>>) dst(%dma_wait3A_244 : memref<128x32xf32, #tpu.memory_space<vmem>>)
    %dma_wait3A_251 = arith.constant 1 : i32
    %dma_wait3A_252 = arith.constant 128 : i32
    %dma_wait3A_253 = arith.constant 0 : i32
    %dma_wait3A_254 = tpu.memref_slice %arg17[%dma_wait3A_252, %dma_wait3A_253] : memref<512x32xf32, #tpu.memory_space<vmem>> -> memref<128x32xf32, #tpu.memory_space<vmem>>
    %dma_wait3A_255 = arith.constant 0 : i32
    %dma_wait3A_256 = tpu.memref_slice %arg13[%dma_wait3A_251, %dma_wait3A_255] : memref<4x128xi32, #tpu.memory_space<vmem>> -> memref<1x128xi32, #tpu.memory_space<vmem>>
    %dma_wait3A_257 = tpu.memref_squeeze %dma_wait3A_256 : memref<1x128xi32, #tpu.memory_space<vmem>> -> memref<128xi32, #tpu.memory_space<vmem>>
    %dma_wait3A_258 = arith.constant 0 : i32
    %dma_wait3A_259 = arith.constant 0 : i32
    %dma_wait3A_260 = tpu.memref_slice %arg4[%dma_wait3A_258, %dma_wait3A_259] : memref<100000x32xf32, #tpu.memory_space<hbm>> -> memref<100000x32xf32, #tpu.memory_space<hbm>>
    tpu.wait_indirect_dma semaphore(%arg19 : memref<!tpu.dma_semaphore, #tpu.memory_space<semaphore_mem>>) src(%dma_wait3A_260 : memref<100000x32xf32, #tpu.memory_space<hbm>>) dst(%dma_wait3A_254 : memref<128x32xf32, #tpu.memory_space<vmem>>)
    %dma_wait3A_261 = arith.constant 2 : i32
    %dma_wait3A_262 = arith.constant 256 : i32
    %dma_wait3A_263 = arith.constant 0 : i32
    %dma_wait3A_264 = tpu.memref_slice %arg17[%dma_wait3A_262, %dma_wait3A_263] : memref<512x32xf32, #tpu.memory_space<vmem>> -> memref<128x32xf32, #tpu.memory_space<vmem>>
    %dma_wait3A_265 = arith.constant 0 : i32
    %dma_wait3A_266 = tpu.memref_slice %arg13[%dma_wait3A_261, %dma_wait3A_265] : memref<4x128xi32, #tpu.memory_space<vmem>> -> memref<1x128xi32, #tpu.memory_space<vmem>>
    %dma_wait3A_267 = tpu.memref_squeeze %dma_wait3A_266 : memref<1x128xi32, #tpu.memory_space<vmem>> -> memref<128xi32, #tpu.memory_space<vmem>>
    %dma_wait3A_268 = arith.constant 0 : i32
    %dma_wait3A_269 = arith.constant 0 : i32
    %dma_wait3A_270 = tpu.memref_slice %arg4[%dma_wait3A_268, %dma_wait3A_269] : memref<100000x32xf32, #tpu.memory_space<hbm>> -> memref<100000x32xf32, #tpu.memory_space<hbm>>
    tpu.wait_indirect_dma semaphore(%arg19 : memref<!tpu.dma_semaphore, #tpu.memory_space<semaphore_mem>>) src(%dma_wait3A_270 : memref<100000x32xf32, #tpu.memory_space<hbm>>) dst(%dma_wait3A_264 : memref<128x32xf32, #tpu.memory_space<vmem>>)
    %dma_wait3A_271 = arith.constant 3 : i32
    %dma_wait3A_272 = arith.constant 384 : i32
    %dma_wait3A_273 = arith.constant 0 : i32
    %dma_wait3A_274 = tpu.memref_slice %arg17[%dma_wait3A_272, %dma_wait3A_273] : memref<512x32xf32, #tpu.memory_space<vmem>> -> memref<128x32xf32, #tpu.memory_space<vmem>>
    %dma_wait3A_275 = arith.constant 0 : i32
    %dma_wait3A_276 = tpu.memref_slice %arg13[%dma_wait3A_271, %dma_wait3A_275] : memref<4x128xi32, #tpu.memory_space<vmem>> -> memref<1x128xi32, #tpu.memory_space<vmem>>
    %dma_wait3A_277 = tpu.memref_squeeze %dma_wait3A_276 : memref<1x128xi32, #tpu.memory_space<vmem>> -> memref<128xi32, #tpu.memory_space<vmem>>
    %dma_wait3A_278 = arith.constant 0 : i32
    %dma_wait3A_279 = arith.constant 0 : i32
    %dma_wait3A_280 = tpu.memref_slice %arg4[%dma_wait3A_278, %dma_wait3A_279] : memref<100000x32xf32, #tpu.memory_space<hbm>> -> memref<100000x32xf32, #tpu.memory_space<hbm>>
    tpu.wait_indirect_dma semaphore(%arg19 : memref<!tpu.dma_semaphore, #tpu.memory_space<semaphore_mem>>) src(%dma_wait3A_280 : memref<100000x32xf32, #tpu.memory_space<hbm>>) dst(%dma_wait3A_274 : memref<128x32xf32, #tpu.memory_space<vmem>>)
    %dma_wait3A_281 = arith.constant 0 : i32
    %dma_wait3A_282 = arith.constant 0 : i32
    %dma_wait3A_283 = arith.constant 0 : i32
    %dma_wait3A_284 = tpu.memref_slice %arg18[%dma_wait3A_282, %dma_wait3A_283] : memref<512x32xf32, #tpu.memory_space<vmem>> -> memref<128x32xf32, #tpu.memory_space<vmem>>
    %dma_wait3A_285 = arith.constant 0 : i32
    %dma_wait3A_286 = tpu.memref_slice %arg14[%dma_wait3A_281, %dma_wait3A_285] : memref<4x128xi32, #tpu.memory_space<vmem>> -> memref<1x128xi32, #tpu.memory_space<vmem>>
    %dma_wait3A_287 = tpu.memref_squeeze %dma_wait3A_286 : memref<1x128xi32, #tpu.memory_space<vmem>> -> memref<128xi32, #tpu.memory_space<vmem>>
    %dma_wait3A_288 = arith.constant 0 : i32
    %dma_wait3A_289 = arith.constant 0 : i32
    %dma_wait3A_290 = tpu.memref_slice %arg5[%dma_wait3A_288, %dma_wait3A_289] : memref<1000x32xf32, #tpu.memory_space<hbm>> -> memref<1000x32xf32, #tpu.memory_space<hbm>>
    tpu.wait_indirect_dma semaphore(%arg19 : memref<!tpu.dma_semaphore, #tpu.memory_space<semaphore_mem>>) src(%dma_wait3A_290 : memref<1000x32xf32, #tpu.memory_space<hbm>>) dst(%dma_wait3A_284 : memref<128x32xf32, #tpu.memory_space<vmem>>)
    %dma_wait3A_291 = arith.constant 1 : i32
    %dma_wait3A_292 = arith.constant 128 : i32
    %dma_wait3A_293 = arith.constant 0 : i32
    %dma_wait3A_294 = tpu.memref_slice %arg18[%dma_wait3A_292, %dma_wait3A_293] : memref<512x32xf32, #tpu.memory_space<vmem>> -> memref<128x32xf32, #tpu.memory_space<vmem>>
    %dma_wait3A_295 = arith.constant 0 : i32
    %dma_wait3A_296 = tpu.memref_slice %arg14[%dma_wait3A_291, %dma_wait3A_295] : memref<4x128xi32, #tpu.memory_space<vmem>> -> memref<1x128xi32, #tpu.memory_space<vmem>>
    %dma_wait3A_297 = tpu.memref_squeeze %dma_wait3A_296 : memref<1x128xi32, #tpu.memory_space<vmem>> -> memref<128xi32, #tpu.memory_space<vmem>>
    %dma_wait3A_298 = arith.constant 0 : i32
    %dma_wait3A_299 = arith.constant 0 : i32
    %dma_wait3A_300 = tpu.memref_slice %arg5[%dma_wait3A_298, %dma_wait3A_299] : memref<1000x32xf32, #tpu.memory_space<hbm>> -> memref<1000x32xf32, #tpu.memory_space<hbm>>
    tpu.wait_indirect_dma semaphore(%arg19 : memref<!tpu.dma_semaphore, #tpu.memory_space<semaphore_mem>>) src(%dma_wait3A_300 : memref<1000x32xf32, #tpu.memory_space<hbm>>) dst(%dma_wait3A_294 : memref<128x32xf32, #tpu.memory_space<vmem>>)
    %dma_wait3A_301 = arith.constant 2 : i32
    %dma_wait3A_302 = arith.constant 256 : i32
    %dma_wait3A_303 = arith.constant 0 : i32
    %dma_wait3A_304 = tpu.memref_slice %arg18[%dma_wait3A_302, %dma_wait3A_303] : memref<512x32xf32, #tpu.memory_space<vmem>> -> memref<128x32xf32, #tpu.memory_space<vmem>>
    %dma_wait3A_305 = arith.constant 0 : i32
    %dma_wait3A_306 = tpu.memref_slice %arg14[%dma_wait3A_301, %dma_wait3A_305] : memref<4x128xi32, #tpu.memory_space<vmem>> -> memref<1x128xi32, #tpu.memory_space<vmem>>
    %dma_wait3A_307 = tpu.memref_squeeze %dma_wait3A_306 : memref<1x128xi32, #tpu.memory_space<vmem>> -> memref<128xi32, #tpu.memory_space<vmem>>
    %dma_wait3A_308 = arith.constant 0 : i32
    %dma_wait3A_309 = arith.constant 0 : i32
    %dma_wait3A_310 = tpu.memref_slice %arg5[%dma_wait3A_308, %dma_wait3A_309] : memref<1000x32xf32, #tpu.memory_space<hbm>> -> memref<1000x32xf32, #tpu.memory_space<hbm>>
    tpu.wait_indirect_dma semaphore(%arg19 : memref<!tpu.dma_semaphore, #tpu.memory_space<semaphore_mem>>) src(%dma_wait3A_310 : memref<1000x32xf32, #tpu.memory_space<hbm>>) dst(%dma_wait3A_304 : memref<128x32xf32, #tpu.memory_space<vmem>>)
    %dma_wait3A_311 = arith.constant 3 : i32
    %dma_wait3A_312 = arith.constant 384 : i32
    %dma_wait3A_313 = arith.constant 0 : i32
    %dma_wait3A_314 = tpu.memref_slice %arg18[%dma_wait3A_312, %dma_wait3A_313] : memref<512x32xf32, #tpu.memory_space<vmem>> -> memref<128x32xf32, #tpu.memory_space<vmem>>
    %dma_wait3A_315 = arith.constant 0 : i32
    %dma_wait3A_316 = tpu.memref_slice %arg14[%dma_wait3A_311, %dma_wait3A_315] : memref<4x128xi32, #tpu.memory_space<vmem>> -> memref<1x128xi32, #tpu.memory_space<vmem>>
    %dma_wait3A_317 = tpu.memref_squeeze %dma_wait3A_316 : memref<1x128xi32, #tpu.memory_space<vmem>> -> memref<128xi32, #tpu.memory_space<vmem>>
    %dma_wait3A_318 = arith.constant 0 : i32
    %dma_wait3A_319 = arith.constant 0 : i32
    %dma_wait3A_320 = tpu.memref_slice %arg5[%dma_wait3A_318, %dma_wait3A_319] : memref<1000x32xf32, #tpu.memory_space<hbm>> -> memref<1000x32xf32, #tpu.memory_space<hbm>>
    tpu.wait_indirect_dma semaphore(%arg19 : memref<!tpu.dma_semaphore, #tpu.memory_space<semaphore_mem>>) src(%dma_wait3A_320 : memref<1000x32xf32, #tpu.memory_space<hbm>>) dst(%dma_wait3A_314 : memref<128x32xf32, #tpu.memory_space<vmem>>)
    "tpu.region"() ({
      %run_scoped3A = tpu.sem_alloc : memref<!tpu.dma_semaphore, #tpu.memory_space<semaphore_mem>>
      %dma_start3A_321 = arith.constant 0 : i32
      %dma_start3A_322 = tpu.memref_slice %arg10[%mul3A_2, %dma_start3A_321] : memref<16384x128xf32, #tpu.memory_space<hbm>> -> memref<512x32xf32, #tpu.memory_space<hbm>>
      %dma_start3A_323 = arith.constant 0 : i32
      %dma_start3A_324 = tpu.memref_slice %arg10[%mul3A_2, %dma_start3A_323] : memref<16384x128xf32, #tpu.memory_space<hbm>> -> memref<512x32xf32, #tpu.memory_space<hbm>>
      tpu.enqueue_dma source(%arg15 : memref<512x32xf32, #tpu.memory_space<vmem>>) target(%dma_start3A_324 : memref<512x32xf32, #tpu.memory_space<hbm>>) target_semaphore(%run_scoped3A : memref<!tpu.dma_semaphore, #tpu.memory_space<semaphore_mem>>)
      %dma_wait3A_325 = arith.constant 0 : i32
      %dma_wait3A_326 = tpu.memref_slice %arg10[%mul3A_2, %dma_wait3A_325] : memref<16384x128xf32, #tpu.memory_space<hbm>> -> memref<512x32xf32, #tpu.memory_space<hbm>>
      %dma_wait3A_327 = arith.constant 0 : i32
      %dma_wait3A_328 = tpu.memref_slice %arg10[%mul3A_2, %dma_wait3A_327] : memref<16384x128xf32, #tpu.memory_space<hbm>> -> memref<512x32xf32, #tpu.memory_space<hbm>>
      tpu.wait_dma2 semaphore(%run_scoped3A : memref<!tpu.dma_semaphore, #tpu.memory_space<semaphore_mem>>) src(%arg15 : memref<512x32xf32, #tpu.memory_space<vmem>>) dst(%dma_wait3A_328 : memref<512x32xf32, #tpu.memory_space<hbm>>)
      tpu.yield
    }) : () -> ()
    "tpu.region"() ({
      %run_scoped3A = tpu.sem_alloc : memref<!tpu.dma_semaphore, #tpu.memory_space<semaphore_mem>>
      %dma_start3A_321 = arith.constant 32 : i32
      %dma_start3A_322 = tpu.memref_slice %arg10[%mul3A_2, %dma_start3A_321] : memref<16384x128xf32, #tpu.memory_space<hbm>> -> memref<512x32xf32, #tpu.memory_space<hbm>>
      %dma_start3A_323 = arith.constant 32 : i32
      %dma_start3A_324 = tpu.memref_slice %arg10[%mul3A_2, %dma_start3A_323] : memref<16384x128xf32, #tpu.memory_space<hbm>> -> memref<512x32xf32, #tpu.memory_space<hbm>>
      tpu.enqueue_dma source(%arg16 : memref<512x32xf32, #tpu.memory_space<vmem>>) target(%dma_start3A_324 : memref<512x32xf32, #tpu.memory_space<hbm>>) target_semaphore(%run_scoped3A : memref<!tpu.dma_semaphore, #tpu.memory_space<semaphore_mem>>)
      %dma_wait3A_325 = arith.constant 32 : i32
      %dma_wait3A_326 = tpu.memref_slice %arg10[%mul3A_2, %dma_wait3A_325] : memref<16384x128xf32, #tpu.memory_space<hbm>> -> memref<512x32xf32, #tpu.memory_space<hbm>>
      %dma_wait3A_327 = arith.constant 32 : i32
      %dma_wait3A_328 = tpu.memref_slice %arg10[%mul3A_2, %dma_wait3A_327] : memref<16384x128xf32, #tpu.memory_space<hbm>> -> memref<512x32xf32, #tpu.memory_space<hbm>>
      tpu.wait_dma2 semaphore(%run_scoped3A : memref<!tpu.dma_semaphore, #tpu.memory_space<semaphore_mem>>) src(%arg16 : memref<512x32xf32, #tpu.memory_space<vmem>>) dst(%dma_wait3A_328 : memref<512x32xf32, #tpu.memory_space<hbm>>)
      tpu.yield
    }) : () -> ()
    "tpu.region"() ({
      %run_scoped3A = tpu.sem_alloc : memref<!tpu.dma_semaphore, #tpu.memory_space<semaphore_mem>>
      %dma_start3A_321 = arith.constant 64 : i32
      %dma_start3A_322 = tpu.memref_slice %arg10[%mul3A_2, %dma_start3A_321] : memref<16384x128xf32, #tpu.memory_space<hbm>> -> memref<512x32xf32, #tpu.memory_space<hbm>>
      %dma_start3A_323 = arith.constant 64 : i32
      %dma_start3A_324 = tpu.memref_slice %arg10[%mul3A_2, %dma_start3A_323] : memref<16384x128xf32, #tpu.memory_space<hbm>> -> memref<512x32xf32, #tpu.memory_space<hbm>>
      tpu.enqueue_dma source(%arg17 : memref<512x32xf32, #tpu.memory_space<vmem>>) target(%dma_start3A_324 : memref<512x32xf32, #tpu.memory_space<hbm>>) target_semaphore(%run_scoped3A : memref<!tpu.dma_semaphore, #tpu.memory_space<semaphore_mem>>)
      %dma_wait3A_325 = arith.constant 64 : i32
      %dma_wait3A_326 = tpu.memref_slice %arg10[%mul3A_2, %dma_wait3A_325] : memref<16384x128xf32, #tpu.memory_space<hbm>> -> memref<512x32xf32, #tpu.memory_space<hbm>>
      %dma_wait3A_327 = arith.constant 64 : i32
      %dma_wait3A_328 = tpu.memref_slice %arg10[%mul3A_2, %dma_wait3A_327] : memref<16384x128xf32, #tpu.memory_space<hbm>> -> memref<512x32xf32, #tpu.memory_space<hbm>>
      tpu.wait_dma2 semaphore(%run_scoped3A : memref<!tpu.dma_semaphore, #tpu.memory_space<semaphore_mem>>) src(%arg17 : memref<512x32xf32, #tpu.memory_space<vmem>>) dst(%dma_wait3A_328 : memref<512x32xf32, #tpu.memory_space<hbm>>)
      tpu.yield
    }) : () -> ()
    "tpu.region"() ({
      %run_scoped3A = tpu.sem_alloc : memref<!tpu.dma_semaphore, #tpu.memory_space<semaphore_mem>>
      %dma_start3A_321 = arith.constant 96 : i32
      %dma_start3A_322 = tpu.memref_slice %arg10[%mul3A_2, %dma_start3A_321] : memref<16384x128xf32, #tpu.memory_space<hbm>> -> memref<512x32xf32, #tpu.memory_space<hbm>>
      %dma_start3A_323 = arith.constant 96 : i32
      %dma_start3A_324 = tpu.memref_slice %arg10[%mul3A_2, %dma_start3A_323] : memref<16384x128xf32, #tpu.memory_space<hbm>> -> memref<512x32xf32, #tpu.memory_space<hbm>>
      tpu.enqueue_dma source(%arg18 : memref<512x32xf32, #tpu.memory_space<vmem>>) target(%dma_start3A_324 : memref<512x32xf32, #tpu.memory_space<hbm>>) target_semaphore(%run_scoped3A : memref<!tpu.dma_semaphore, #tpu.memory_space<semaphore_mem>>)
      %dma_wait3A_325 = arith.constant 96 : i32
      %dma_wait3A_326 = tpu.memref_slice %arg10[%mul3A_2, %dma_wait3A_325] : memref<16384x128xf32, #tpu.memory_space<hbm>> -> memref<512x32xf32, #tpu.memory_space<hbm>>
      %dma_wait3A_327 = arith.constant 96 : i32
      %dma_wait3A_328 = tpu.memref_slice %arg10[%mul3A_2, %dma_wait3A_327] : memref<16384x128xf32, #tpu.memory_space<hbm>> -> memref<512x32xf32, #tpu.memory_space<hbm>>
      tpu.wait_dma2 semaphore(%run_scoped3A : memref<!tpu.dma_semaphore, #tpu.memory_space<semaphore_mem>>) src(%arg18 : memref<512x32xf32, #tpu.memory_space<vmem>>) dst(%dma_wait3A_328 : memref<512x32xf32, #tpu.memory_space<hbm>>)
      tpu.yield
    }) : () -> ()
    return
  }
}

</mosaic_0001>

<sc_bundles>
// kernel: kernel.3.cloned.1.call-start
scs
__scs_entry_jumppad:
0x0: {  	(pc) =	sbr.rel $0x88, $3  }
0x1: {  	(tag) =	ssettag $0x0;
	lr =	simm.s32 $0x1  }
0x2: {  	[smem:$0x3F99] =	sst lr;
	_ =	strace $0xD0000000  }
0x3: {  	_ = 	snop  }
0x4: {  	_ = 	snop  }
0x5: {  	_ = 	snop  }
0x6: {  	_ = 	snop  }
0x7: {  	_ = 	snop  }
__scs_overlays_trampoline_lowered:
0x8: {  	[smem:$0x3FA8] =	sst s0  }
0x9: {  	[smem:$0x3FA9] =	sst s1  }
0xa: {  	[smem:$0x3FAA] =	sst s2  }
0xb: {  	[smem:$0x3FAB] =	sst s3  }
0xc: {  	[smem:$0x3FAC] =	sst s4  }
0xd: {  	[smem:$0x3FAD] =	sst s5  }
0xe: {  	[smem:$0x3FAE] =	sst s6  }
0xf: {  	[smem:$0x3FAF] =	sst s7  }
0x10: {  	[smem:$0x3FB0] =	sst s8  }
0x11: {  	[smem:$0x3FB1] =	sst s9;
	s0 =	simm.s32 @!p0 $0x0  }
0x12: {  	s1 =	sld [smem:$0x3F97];
	s0 =	simm.s32 @p0 $0x1  }
0x13: {  	[smem:$0x3FB2] =	sst s0;
	s0 =	simm.s32 @!p1 $0x0  }
0x14: {  	s2 =	sld [smem:$0x3F96];
	s0 =	simm.s32 @p1 $0x1  }
0x15: {  	[smem:$0x3FB3] =	sst s0;
	s0 =	simm.s32 @!p2 $0x0  }
0x16: {  	s3 =	sld [smem:$0x3FDB];
	s0 =	simm.s32 @p2 $0x1  }
0x17: {  	s4 =	simm.s32 $0x1BF5;
	[smem:$0x3FB5] =	sst s0  }
0x18: {  	s0 =	sld [smem:$0x3F98];
	_ =	swait.ge [sflag:s4], $0x0  }
0x19: {  	s7 =	sld [smem:$0x3F99]  }
0x1a: {  	s8 =	sadd.s32 $0xFFFFE003, lr  }
0x1b: {  	s9 =	sadd.s32 $0xFFFFFEF7, lr;
	s5 =	simm.s32 $0xFFFFFFFF;
	p2 =	slt.u32 s8, $0xFFFFF086  }
0x1c: {  	p1 =	slt.u32 s9, $0xF7A;
	s5 =	simm.s32 @!p2 $0x0  }
0x1d: {  	s5 =	simm.s32 @p1 $0x1;
	p0 =	seq.s32 s7, s2  }
0x1e: {  	s7 =	smul.u32 @!p0 $0xF7A, s2;
	p2 =	seq.s32 @!p0 s5, $0x0  }
0x1f: {  	s9 =	smul.u32 $0xF7A, s1;
	s8 =	simm.s32 @!p0 $0x1BF5;
	p2 =	por !p2, p0  }
0x20: {  	[sflag:s8] =	ssyncset.s32 @!p0 $0xFFFFF086;
	s6 =	sadd.s32 @!p0 s3, s7;
	s7 =	simm.s32 @!p0 $0x108  }
0x21: {  	s3 =	sadd.s32 s3, s9;
	s6 =	sadd.s32 @!p0 $0x88, s6;
	s7 =	simm.s32 @p2 $0x1082  }
0x22: {  	[simem:s7], [sflag:s8] =	dma.local @!p0 [hbm:s6], $0xF7A  }
0x23: {  	s9 =	sor.u32 $0xD0000000, s2;
	s6 =	simm.s32 $0x108;
	_ =	swait.ge @!p0 [sflag:s8], $0x0  }
0x24: {  	s3 =	sadd.s32 $0x88, s3;
	s6 =	simm.s32 @!p1 $0x1082;
	[sflag:s4] =	ssyncset.s32 $0xFFFFF086  }
0x25: {  	[simem:s6], [sflag:s4] =	dma.local [hbm:s3], $0xF7A  }
0x26: {  	[smem:$0x3F99] =	sst s1;
	(tag) =	ssettag s2;
	_ =	strace s9  }
0x27: {  	s1 =	sld [smem:$0x3FA9]  }
0x28: {  	s2 =	sld [smem:$0x3FAA]  }
0x29: {  	s4 =	sld [smem:$0x3FAC]  }
0x2a: {  	p0 =	seq.s32 s5, $0x0;
	s5 =	sld [smem:$0x3FAD]  }
0x2b: {  	s6 =	sld [smem:$0x3FAE]  }
0x2c: {  	s7 =	sld [smem:$0x3FAF]  }
0x2d: {  	s3 =	simm.s32 $0x108;
	s8 =	sld [smem:$0x3FB0]  }
0x2e: {  	s3 =	simm.s32 @!p0 $0x1082;
	s9 =	sld [smem:$0x3FB1]  }
0x2f: {  	lr =	sadd.s32 s0, s3;
	s0 =	sld [smem:$0x3FA8]  }
0x30: {  	s3 =	sld [smem:$0x3FAB]  }
0x31: {  	[smem:$0x3FB4] =	sst s10  }
0x32: {  	s10 =	sld [smem:$0x3FB2];
	_ =	sdelay $0x3  }
0x33: {  	p0 =	seq.s32 s10, $0x1;
	s10 =	sld [smem:$0x3FB4];
	_ =	sdelay $0x3  }
0x34: {  	[smem:$0x3FB4] =	sst s10  }
0x35: {  	s10 =	sld [smem:$0x3FB3];
	_ =	sdelay $0x3  }
0x36: {  	p1 =	seq.s32 s10, $0x1;
	s10 =	sld [smem:$0x3FB4];
	_ =	sdelay $0x3  }
0x37: {  	[smem:$0x3FB4] =	sst s10  }
0x38: {  	s10 =	sld [smem:$0x3FB5]  }
0x39: {  	_ = 	snop;
	(pc) =	sbr.ind lr, $3  }
0x3a: {  	_ = 	snop  }
0x3b: {  	_ = 	snop  }
0x3c: {  	p2 =	seq.s32 s10, $0x1;
	s10 =	sld [smem:$0x3FB4]  }
0x3d: {  	_ =	shalt  }
0x3e: {  	_ =	shalt  }
0x3f: {  	_ =	shalt  }
0x40: {  	_ =	shalt  }
0x41: {  	_ =	shalt  }
0x42: {  	_ =	shalt  }
0x43: {  	_ =	shalt  }
0x44: {  	_ =	shalt  }
0x45: {  	_ =	shalt  }
0x46: {  	_ =	shalt  }
0x47: {  	_ =	shalt  }
0x48: {  	_ =	shalt  }
0x49: {  	_ =	shalt  }
0x4a: {  	_ =	shalt  }
0x4b: {  	_ =	shalt  }
0x4c: {  	_ =	shalt  }
0x4d: {  	_ =	shalt  }
0x4e: {  	_ =	shalt  }
0x4f: {  	_ =	shalt  }
0x50: {  	_ =	shalt  }
0x51: {  	_ =	shalt  }
0x52: {  	_ =	shalt  }
0x53: {  	_ =	shalt  }
0x54: {  	_ =	shalt  }
0x55: {  	_ =	shalt  }
0x56: {  	_ =	shalt  }
0x57: {  	_ =	shalt  }
0x58: {  	_ =	shalt  }
0x59: {  	_ =	shalt  }
0x5a: {  	_ =	shalt  }
0x5b: {  	_ =	shalt  }
0x5c: {  	_ =	shalt  }
0x5d: {  	_ =	shalt  }
0x5e: {  	_ =	shalt  }
0x5f: {  	_ =	shalt  }
0x60: {  	_ =	shalt  }
0x61: {  	_ =	shalt  }
0x62: {  	_ =	shalt  }
0x63: {  	_ =	shalt  }
0x64: {  	_ =	shalt  }
0x65: {  	_ =	shalt  }
0x66: {  	_ =	shalt  }
0x67: {  	_ =	shalt  }
0x68: {  	_ =	shalt  }
0x69: {  	_ =	shalt  }
0x6a: {  	_ =	shalt  }
0x6b: {  	_ =	shalt  }
0x6c: {  	_ =	shalt  }
0x6d: {  	_ =	shalt  }
0x6e: {  	_ =	shalt  }
0x6f: {  	_ =	shalt  }
0x70: {  	_ =	shalt  }
0x71: {  	_ =	shalt  }
0x72: {  	_ =	shalt  }
0x73: {  	_ =	shalt  }
0x74: {  	_ =	shalt  }
0x75: {  	_ =	shalt  }
0x76: {  	_ =	shalt  }
0x77: {  	_ =	shalt  }
0x78: {  	_ =	shalt  }
0x79: {  	_ =	shalt  }
0x7a: {  	_ =	shalt  }
0x7b: {  	_ =	shalt  }
0x7c: {  	_ =	shalt  }
0x7d: {  	_ =	shalt  }
0x7e: {  	_ =	shalt  }
0x7f: {  	_ =	shalt  }
0x80: {  	_ =	shalt  }
0x81: {  	_ =	shalt  }
0x82: {  	_ =	shalt  }
0x83: {  	_ =	shalt  }
0x84: {  	_ =	shalt  }
0x85: {  	_ =	shalt  }
0x86: {  	_ =	shalt  }
0x87: {  	_ =	shalt  }
.Lfunc_end0:
.L_simem_size_0:
called_computation_lowered:
.L_overlay_start_0:
0x88: {  	s2 =	sld [smem:$0x3FD9]  }
0x89: {  	s3 =	sld [smem:$0x3FFE];
	_ =	sdelay $0x1  }
0x8a: {  	s1 =	srdreg.scid  }
0x8b: {  	s0 =	sand.u32 $0x1, s1  }
0x8c: {  	s17 =	sshll.u32 s0, $0xA;
	s2 =	sadd.s32 s3, s2  }
0x8d: {  	s2 =	sadd.s32 s2, s17  }
0x8e: {  	[smem:$0x3FC0] =	sst s2  }
0x8f: {  	_ = 	snop  }
0x90: {  	s2 =	sld [smem:$0x3FC9]  }
0x91: {  	s18 =	sld [smem:$0x3FC8]  }
0x92: {  	s4 =	sld [smem:$0x3FC7]  }
0x93: {  	s5 =	sld [smem:$0x3FC6]  }
0x94: {  	s6 =	sld [smem:$0x3FD0];
	(tm) =	ssettm $0x1  }
0x95: {  	s7 =	sld [smem:$0x3FFB];
	_ =	sdelay $0x3  }
0x96: {  	_ =	strace s7  }
0x97: {  	s7 =	sld [smem:$0x3FFC];
	_ =	sdelay $0x3  }
0x98: {  	_ =	strace s7  }
0x99: {  	s7 =	sld [smem:$0x3FFD];
	_ =	sdelay $0x3  }
0x9a: {  	_ =	strace s7  }
0x9b: {  	_ =	strace $0x8FFFFFFF  }
0x9c: {  	s19 =	sld [smem:$0x3FDB];
	_ =	sdelay $0x1  }
0x9d: {  	s8 =	simm.s32 $_scs_section_size  }
0x9e: {  	s9 =	simm.s32 $_size__tile_overlayer_lowered;
	s10 =	simm.s32 $_tile_overlayer_lowered  }
0x9f: {  	s22 =	simm.s32 $0x1BFF;
	s21 =	sshll.u32 s10, $0x1;
	s7 =	sadd.s32 s8, s19  }
0xa0: {  	s11 =	simm.s32 $0x0;
	s20 =	sshll.u32 s9, $0x1;
	s9 =	sadd.s32 s21, s7  }
0xa1: {  	[timem:s11], [sflag:s22] =	dma.local [hbm:s9], s20  }
0xa2: {  	_ =	swait.ge [sflag:s22], s20  }
0xa3: {  	s8 =	ssub.s32 $0x0, s20;
	[sflag:s22] =	ssyncset.done $0x0  }
0xa4: {  	[sflag:s22] =	ssyncadd.s32 s8;
	_ =	sdelay $0x1  }
0xa5: {  	s23 =	simm.s32 $0x1B8B  }
0xa6: {  	_ =	swait.ge [sflag:s23], $0x1  }
0xa7: {  	[sflag:s23] =	ssyncset.done $0x0  }
0xa8: {  	s25 =	simm.s32 $0x1B8E;
	s24 =	sld [smem:$0x3FFE];
	[sflag:s23] =	ssyncadd.s32 $0xFFFFFFFF  }
0xa9: {  	s26 =	simm.s32 $execute0_lowered;
	[smem:$0x3FD2] =	sst s25  }
0xaa: {  	s9 =	sshll.u32 s26, $0x1;
	_ =	strace $0x80000046;
	[dreg:$0x1] =	wrdreg $0xFFFFFFFF  }
0xab: {  	s28 =	simm.s32 $_size_execute0_lowered;
	s7 =	sadd.s32 s7, s9;
	[dreg:$0x0] =	wrdreg $0x0  }
0xac: {  	s9 =	sshll.u32 s28, $0x1;
	[dreg:$0x2] =	wrdreg s7  }
0xad: {  	[dreg:$0x3] =	wrdreg s9  }
0xae: {  	[dreg:$0x4] =	wrdreg $0xC0  }
0xaf: {  	_ =	task [dreg:s11], $0x5FFFF  }
0xb0: {  	[dreg:$0x1] =	wrdreg $0xFFFFFFFF  }
0xb1: {  	[dreg:$0x0] =	wrdreg $0x60  }
0xb2: {  	[dreg:$0x2] =	wrdreg s24  }
0xb3: {  	[dreg:$0x3] =	wrdreg s2  }
0xb4: {  	[dreg:$0x4] =	wrdreg s18  }
0xb5: {  	[dreg:$0x5] =	wrdreg s4  }
0xb6: {  	[dreg:$0x6] =	wrdreg s5  }
0xb7: {  	[dreg:$0x7] =	wrdreg s6  }
0xb8: {  	[dreg:$0x8] =	wrdreg $0x9  }
0xb9: {  	_ =	task.clear_ibuf [dreg:s11], $0x9FFFF;
	_ =	strace $0x90000046  }
0xba: {  	s29 =	simm.s32 $0x9;
	_ =	strace $0x80000048  }
0xbb: {  	_ =	swait.ge [sflag:s29], $0x1  }
0xbc: {  	[sflag:s29] =	ssyncadd.s32 $0xFFFFFFFF  }
0xbd: {  	_ =	strace $0x90000048  }
0xbe: {  	_ =	sfence  }
0xbf: {  	s30 =	sld [smem:$0x0];
	_ =	sdelay $0x2  }
0xc0: {  	s31 =	sshll.u32 s1, $0xD;
	s1 =	sshrl.u32 s1, $0x2  }
0xc1: {  	s3 =	sand.u32 $0x4000, s31;
	s1 =	sadd.s32 s1, s30  }
0xc2: {  	s0 =	sor.u32 s3, s0;
	s1 =	sshll.u32 s1, $0x11  }
0xc3: {  	s0 =	sor.u32 s1, s0  }
0xc4: {  	s0 =	sadd.s32 $0x8F2B, s0  }
0xc5: {  	[sflag:s0] =	ssyncadd.remote.s32 $0x1  }
0xc6: {  	_ =	sfence.sel $0xFFFF  }
0xc7: {  	[dreg:$0x0] =	wrdreg $0xFFFFFFFF;
	(pc) =	sbr.abs _section_cstart, $3  }
0xc8: {  	[dreg:$0x1] =	wrdreg $0xFFFFFFFF  }
0xc9: {  	_ =	task.clear_ibuf [dreg:s11], $0x2FFFF;
	_ =	strace $0x9FFFFFFF  }
0xca: {  	(tm) =	ssettm $0x7FFFFFFF  }
0xcb: {  	_ =	shalt  }
tec
execute0_lowered:
.L_overlay_start_1:
0x0: {  	(tag) =	ssettag $0x1  }
0x1: {  	s21 =	rddreg [dreg:$0x0]  }
0x2: {  	s0 =	rddreg [dreg:$0x1]  }
0x3: {  	s3 =	rddreg [dreg:$0x2]  }
0x4: {  	s4 =	rddreg [dreg:$0x3]  }
0x5: {  	s5 =	rddreg [dreg:$0x4];
	s2 =	stileid.u32  }
0x6: {  	s6 =	rddreg [dreg:$0x5];
	s7 =	sshll.u32 s2, $0xA;
	s2 =	simm.s32 $0x0  }
0x7: {  	s25 =	simm.s32 $0x1800;
	[smem:$0x7FF] =	sst s2  }
0x8: {  	s26 =	simm.s32 $0x100;
	_ =	strace $0x80000047;
	[dreg:$0xe] =	wrdreg s25  }
0x9: {  	s9 =	simm.s32 $0x300;
	[dreg:$0xf] =	wrdreg s26  }
0xa: {  	s1 =	srdreg.scid;
	s10 =	simm.s32 $0x6800;
	[dreg:$0x15] =	wrdreg s9  }
0xb: {  	s11 =	simm.s32 $0x380;
	s1 =	sand.u32 $0x1, s1;
	[dreg:$0x16] =	wrdreg s10  }
0xc: {  	s13 =	simm.s32 $0x7800;
	s8 =	sshll.u32 s1, $0x9;
	[dreg:$0x17] =	wrdreg s11  }
0xd: {  	s7 =	sor.u32 s8, s7;
	[dreg:$0x18] =	wrdreg s13  }
0xe: {  	s8 =	sshrl.u32 s7, $0x3;
	s19 =	sshll.u32 s7, $0x4;
	s7 =	simm.s32 $0x280  }
0xf: {  	s0 =	sadd.s32 s0, s8;
	[dreg:$0x13] =	wrdreg s7  }
0x10: {  	s17 =	sadd.s32 s3, s8;
	[dreg:$0x7] =	wrdreg s0  }
0x11: {  	s18 =	sadd.s32 s4, s8;
	[dreg:$0x8] =	wrdreg s17  }
0x12: {  	s20 =	sadd.s32 s5, s8;
	[dreg:$0x9] =	wrdreg s18  }
0x13: {  	s4 =	simm.s32 $0x2800;
	[dreg:$0xa] =	wrdreg s20  }
0x14: {  	s5 =	simm.s32 $0x180;
	[dreg:$0x10] =	wrdreg s4  }
0x15: {  	s3 =	sadd.s32 s6, s19;
	s6 =	simm.s32 $0x3800;
	[dreg:$0x11] =	wrdreg s5  }
0x16: {  	s8 =	simm.s32 $0x5800;
	[dreg:$0x12] =	wrdreg s6  }
0x17: {  	s22 =	sadd.s32 $0x4, s3;
	[dreg:$0x14] =	wrdreg s8  }
0x18: {  	s23 =	sadd.s32 $0x8, s3;
	[dreg:$0xb] =	wrdreg s22  }
0x19: {  	s24 =	sadd.s32 $0xC, s3;
	[dreg:$0xc] =	wrdreg s23  }
0x1a: {  	[dreg:$0xd] =	wrdreg s24  }
0x1b: {  	s4 =	simm.s32 $0x2;
	s12 =	rddreg [dreg:$0x7]  }
0x1c: {  	[tilespmem:s2], [sflag:$0x2] =	stream.linear.gather [hbm4b:s12+s2], $0x200, $0x38;
	[tilespmem:$0x10800] =	vst v63  }
0x1d: {  	_ =	swait.ge [sflag:s4], $0x200  }
0x1e: {  	[sflag:s4] =	ssyncset.done $0x0  }
0x1f: {  	s5 =	simm.s32 $0x200;
	s14 =	rddreg [dreg:$0x8];
	[sflag:s4] =	ssyncadd.s32 $0xFFFFFE00  }
0x20: {  	[tilespmem:s5], [sflag:$0x2] =	stream.linear.gather [hbm4b:s14+s2], $0x200, $0x38;
	[tilespmem:$0x10800] =	vst v63  }
0x21: {  	_ =	swait.ge [sflag:s4], $0x200  }
0x22: {  	[sflag:s4] =	ssyncset.done $0x0  }
0x23: {  	s6 =	simm.s32 $0x400;
	s15 =	rddreg [dreg:$0x9];
	[sflag:s4] =	ssyncadd.s32 $0xFFFFFE00  }
0x24: {  	[tilespmem:s6], [sflag:$0x2] =	stream.linear.gather [hbm4b:s15+s2], $0x200, $0x38;
	[tilespmem:$0x10800] =	vst v63  }
0x25: {  	_ =	swait.ge [sflag:s4], $0x200  }
0x26: {  	[sflag:s4] =	ssyncset.done $0x0  }
0x27: {  	s7 =	simm.s32 $0x600;
	s16 =	rddreg [dreg:$0xa];
	[sflag:s4] =	ssyncadd.s32 $0xFFFFFE00  }
0x28: {  	[tilespmem:s7], [sflag:$0x2] =	stream.linear.gather [hbm4b:s16+s2], $0x200, $0x38;
	[tilespmem:$0x10800] =	vst v63  }
0x29: {  	_ =	swait.ge [sflag:s4], $0x200  }
0x2a: {  	s17 =	rddreg [dreg:$0x16]  }
0x2b: {  	s9 =	simm.s32 $0x80;
	s13 =	rddreg [dreg:$0x14]  }
0x2c: {  	s10 =	simm.s32 $0x800;
	s11 =	rddreg [dreg:$0xf];
	[sflag:s4] =	ssyncset.done $0x0  }
0x2d: {  	s8 =	sadd.s32 $0x1313600, s21;
	s12 =	rddreg [dreg:$0xe];
	[sflag:s4] =	ssyncadd.s32 $0xFFFFFE00  }
0x2e: {  	[tilespmem:s10], [sflag:$0x1] =	stream.indirect.gather [hbm4b:s8+s9], $0x20, s2, s9, $0xb8;
	[tilespmem:$0x10800] =	vst v63  }
0x2f: {  	s14 =	rddreg [dreg:$0x10]  }
0x30: {  	[tilespmem:s12], [sflag:$0x1] =	stream.indirect.gather [hbm4b:s8+s9], $0x20, s9, s9, $0xb8;
	[tilespmem:$0x10800] =	vst v63  }
0x31: {  	s15 =	rddreg [dreg:$0x12]  }
0x32: {  	[tilespmem:s14], [sflag:$0x1] =	stream.indirect.gather [hbm4b:s8+s9], $0x20, s11, s9, $0xb8;
	[tilespmem:$0x10800] =	vst v63  }
0x33: {  	s18 =	rddreg [dreg:$0x11]  }
0x34: {  	[tilespmem:s15], [sflag:$0x1] =	stream.indirect.gather [hbm4b:s8+s9], $0x20, s18, s9, $0xb8;
	[tilespmem:$0x10800] =	vst v63  }
0x35: {  	s19 =	rddreg [dreg:$0x18];
	s12 =	simm.s32 $0x4800;
	s11 =	sadd.s32 $0xF42C00, s21  }
0x36: {  	[tilespmem:s12], [sflag:$0x1] =	stream.indirect.gather [hbm4b:s11+s9], $0x20, s5, s9, $0xb8;
	[tilespmem:$0x10800] =	vst v63  }
0x37: {  	s20 =	rddreg [dreg:$0x13]  }
0x38: {  	[tilespmem:s13], [sflag:$0x1] =	stream.indirect.gather [hbm4b:s11+s9], $0x20, s20, s9, $0xb8;
	[tilespmem:$0x10800] =	vst v63  }
0x39: {  	s16 =	rddreg [dreg:$0x15]  }
0x3a: {  	[tilespmem:s17], [sflag:$0x1] =	stream.indirect.gather [hbm4b:s11+s9], $0x20, s16, s9, $0xb8;
	[tilespmem:$0x10800] =	vst v63  }
0x3b: {  	s22 =	rddreg [dreg:$0x17]  }
0x3c: {  	[tilespmem:s19], [sflag:$0x1] =	stream.indirect.gather [hbm4b:s11+s9], $0x20, s22, s9, $0xb8;
	[tilespmem:$0x10800] =	vst v63  }
0x3d: {  	s14 =	simm.s32 $0x8800;
	s13 =	sadd.s32 $0x187200, s21  }
0x3e: {  	[tilespmem:s14], [sflag:$0x1] =	stream.indirect.gather [hbm4b:s13+s9], $0x20, s6, s9, $0xb8;
	[tilespmem:$0x10800] =	vst v63  }
0x3f: {  	s23 =	simm.s32 $0x480;
	s24 =	simm.s32 $0x9800  }
0x40: {  	[tilespmem:s24], [sflag:$0x1] =	stream.indirect.gather [hbm4b:s13+s9], $0x20, s23, s9, $0xb8;
	[tilespmem:$0x10800] =	vst v63  }
0x41: {  	s25 =	simm.s32 $0x500;
	s26 =	simm.s32 $0xA800  }
0x42: {  	[tilespmem:s26], [sflag:$0x1] =	stream.indirect.gather [hbm4b:s13+s9], $0x20, s25, s9, $0xb8;
	[tilespmem:$0x10800] =	vst v63  }
0x43: {  	s15 =	simm.s32 $0x580;
	s16 =	simm.s32 $0xB800  }
0x44: {  	[tilespmem:s16], [sflag:$0x1] =	stream.indirect.gather [hbm4b:s13+s9], $0x20, s15, s9, $0xb8;
	[tilespmem:$0x10800] =	vst v63  }
0x45: {  	s22 =	sadd.s32 $0x800, s21;
	s21 =	simm.s32 $0xC800  }
0x46: {  	[tilespmem:s21], [sflag:$0x1] =	stream.indirect.gather [hbm4b:s22+s9], $0x20, s7, s9, $0xb8;
	[tilespmem:$0x10800] =	vst v63  }
0x47: {  	s23 =	simm.s32 $0x680;
	s24 =	simm.s32 $0xD800  }
0x48: {  	[tilespmem:s24], [sflag:$0x1] =	stream.indirect.gather [hbm4b:s22+s9], $0x20, s23, s9, $0xb8;
	[tilespmem:$0x10800] =	vst v63  }
0x49: {  	s25 =	simm.s32 $0x700;
	s26 =	simm.s32 $0xE800  }
0x4a: {  	[tilespmem:s26], [sflag:$0x1] =	stream.indirect.gather [hbm4b:s22+s9], $0x20, s25, s9, $0xb8;
	[tilespmem:$0x10800] =	vst v63  }
0x4b: {  	s28 =	simm.s32 $0x780;
	s29 =	simm.s32 $0xF800;
	s30 =	simm.s32 $0x1  }
0x4c: {  	[tilespmem:s29], [sflag:$0x1] =	stream.indirect.gather [hbm4b:s22+s9], $0x20, s28, s9, $0xb8;
	[tilespmem:$0x10800] =	vst v63  }
0x4d: {  	_ =	swait.ge [sflag:s30], $0x1000  }
0x4e: {  	[sflag:s30] =	ssyncset.done $0x0  }
0x4f: {  	[sflag:s30] =	ssyncadd.s32 $0xFFFFF000  }
0x50: {  	_ =	swait.ge [sflag:s30], $0x1000  }
0x51: {  	[sflag:s30] =	ssyncset.done $0x0  }
0x52: {  	[sflag:s30] =	ssyncadd.s32 $0xFFFFF000  }
0x53: {  	_ =	swait.ge [sflag:s30], $0x1000  }
0x54: {  	[sflag:s30] =	ssyncset.done $0x0  }
0x55: {  	[sflag:s30] =	ssyncadd.s32 $0xFFFFF000  }
0x56: {  	_ =	swait.ge [sflag:s30], $0x1000  }
0x57: {  	[sflag:s30] =	ssyncset.done $0x0  }
0x58: {  	[sflag:s30] =	ssyncadd.s32 $0xFFFFF000  }
0x59: {  	_ =	swait.ge [sflag:s30], $0x1000  }
0x5a: {  	[sflag:s30] =	ssyncset.done $0x0  }
0x5b: {  	[sflag:s30] =	ssyncadd.s32 $0xFFFFF000  }
0x5c: {  	_ =	swait.ge [sflag:s30], $0x1000  }
0x5d: {  	[sflag:s30] =	ssyncset.done $0x0  }
0x5e: {  	[sflag:s30] =	ssyncadd.s32 $0xFFFFF000  }
0x5f: {  	_ =	swait.ge [sflag:s30], $0x1000  }
0x60: {  	[sflag:s30] =	ssyncset.done $0x0  }
0x61: {  	[sflag:s30] =	ssyncadd.s32 $0xFFFFF000  }
0x62: {  	_ =	swait.ge [sflag:s30], $0x1000  }
0x63: {  	[sflag:s30] =	ssyncset.done $0x0  }
0x64: {  	[sflag:s30] =	ssyncadd.s32 $0xFFFFF000  }
0x65: {  	_ =	swait.ge [sflag:s30], $0x1000  }
0x66: {  	[sflag:s30] =	ssyncset.done $0x0  }
0x67: {  	[sflag:s30] =	ssyncadd.s32 $0xFFFFF000  }
0x68: {  	_ =	swait.ge [sflag:s30], $0x1000  }
0x69: {  	[sflag:s30] =	ssyncset.done $0x0  }
0x6a: {  	[sflag:s30] =	ssyncadd.s32 $0xFFFFF000  }
0x6b: {  	_ =	swait.ge [sflag:s30], $0x1000  }
0x6c: {  	[sflag:s30] =	ssyncset.done $0x0  }
0x6d: {  	[sflag:s30] =	ssyncadd.s32 $0xFFFFF000  }
0x6e: {  	_ =	swait.ge [sflag:s30], $0x1000  }
0x6f: {  	[sflag:s30] =	ssyncset.done $0x0  }
0x70: {  	[sflag:s30] =	ssyncadd.s32 $0xFFFFF000  }
0x71: {  	_ =	swait.ge [sflag:s30], $0x1000  }
0x72: {  	[sflag:s30] =	ssyncset.done $0x0  }
0x73: {  	[sflag:s30] =	ssyncadd.s32 $0xFFFFF000  }
0x74: {  	_ =	swait.ge [sflag:s30], $0x1000  }
0x75: {  	[sflag:s30] =	ssyncset.done $0x0  }
0x76: {  	[sflag:s30] =	ssyncadd.s32 $0xFFFFF000  }
0x77: {  	_ =	swait.ge [sflag:s30], $0x1000  }
0x78: {  	[sflag:s30] =	ssyncset.done $0x0  }
0x79: {  	[sflag:s30] =	ssyncadd.s32 $0xFFFFF000  }
0x7a: {  	_ =	swait.ge [sflag:s30], $0x1000  }
0x7b: {  	[sflag:s30] =	ssyncset.done $0x0  }
0x7c: {  	s31 =	simm.s32 $0x20;
	[sflag:s30] =	ssyncadd.s32 $0xFFFFF000  }
0x7d: {  	[hbm4b:s3+s31] =	stream.strided.scatter [tilespmem:s10], [sflag:$0x2], $0x4000, s9, s31, $0x38;
	[tilespmem:$0x10800] =	vst v63  }
0x7e: {  	s18 =	ssub.s32 $0x2, s1;
	_ =	swait.ge [sflag:s4], $0x4000  }
0x7f: {  	s1 =	sshrl.u32 s18, $0x1;
	[sflag:s4] =	ssyncset.done $0x0  }
0x80: {  	s0 =	ssub.s32 s18, s1;
	s17 =	rddreg [dreg:$0xb];
	[sflag:s4] =	ssyncadd.s32 $0xFFFFC000  }
0x81: {  	[hbm4b:s17+s31] =	stream.strided.scatter [tilespmem:s12], [sflag:$0x2], $0x4000, s9, s31, $0x38;
	[tilespmem:$0x10800] =	vst v63  }
0x82: {  	s0 =	smax.u32 s0, $0x1;
	_ =	swait.ge [sflag:s4], $0x4000  }
0x83: {  	p0 =	sne.s32 s0, $0x1;
	[sflag:s4] =	ssyncset.done $0x0  }
.Ltmp0:
0x84: {  	s19 =	rddreg [dreg:$0xc];
	[sflag:s4] =	ssyncadd.s32 $0xFFFFC000;
	(pc) =	sbr.rel @!p0 .LBB2_2-.Ltmp0, $4  }
0x85: {  	[hbm4b:s19+s31] =	stream.strided.scatter [tilespmem:s14], [sflag:$0x2], $0x4000, s9, s31, $0x38;
	[tilespmem:$0x10800] =	vst v63  }
0x86: {  	_ =	swait.ge [sflag:s4], $0x4000  }
0x87: {  	s20 =	simm.s32 $0xB800;
	[sflag:s4] =	ssyncset.done $0x0  }
0x88: {  	s1 =	sadd.s32 $0xFFFFFFFF, s0;
	s0 =	rddreg [dreg:$0xd];
	[sflag:s4] =	ssyncadd.s32 $0xFFFFC000  }
.LBB2_1:
0x89: {  	[hbm4b:s0+s31] =	stream.strided.scatter [tilespmem:s21], [sflag:$0x2], $0x4000, s9, s31, $0x38;
	[tilespmem:$0x10800] =	vst v63  }
0x8a: {  	_ =	swait.ge [sflag:s4], $0x4000  }
0x8b: {  	[sflag:s4] =	ssyncset.done $0x0  }
0x8c: {  	s19 =	rddreg [dreg:$0x7];
	[sflag:s4] =	ssyncadd.s32 $0xFFFFC000  }
0x8d: {  	[tilespmem:s2], [sflag:$0x2] =	stream.linear.gather [hbm4b:s19+s2], $0x200, $0x38;
	[tilespmem:$0x10800] =	vst v63  }
0x8e: {  	_ =	swait.ge [sflag:s4], $0x200  }
0x8f: {  	[sflag:s4] =	ssyncset.done $0x0  }
0x90: {  	s15 =	rddreg [dreg:$0x8];
	[sflag:s4] =	ssyncadd.s32 $0xFFFFFE00  }
0x91: {  	[tilespmem:s5], [sflag:$0x2] =	stream.linear.gather [hbm4b:s15+s2], $0x200, $0x38;
	[tilespmem:$0x10800] =	vst v63  }
0x92: {  	_ =	swait.ge [sflag:s4], $0x200  }
0x93: {  	[sflag:s4] =	ssyncset.done $0x0  }
0x94: {  	s16 =	rddreg [dreg:$0x9];
	[sflag:s4] =	ssyncadd.s32 $0xFFFFFE00  }
0x95: {  	[tilespmem:s6], [sflag:$0x2] =	stream.linear.gather [hbm4b:s16+s2], $0x200, $0x38;
	[tilespmem:$0x10800] =	vst v63  }
0x96: {  	_ =	swait.ge [sflag:s4], $0x200  }
0x97: {  	[sflag:s4] =	ssyncset.done $0x0  }
0x98: {  	s17 =	rddreg [dreg:$0xa];
	[sflag:s4] =	ssyncadd.s32 $0xFFFFFE00  }
0x99: {  	[tilespmem:s7], [sflag:$0x2] =	stream.linear.gather [hbm4b:s17+s2], $0x200, $0x38;
	[tilespmem:$0x10800] =	vst v63  }
0x9a: {  	_ =	swait.ge [sflag:s4], $0x200  }
0x9b: {  	s0 =	rddreg [dreg:$0x16]  }
0x9c: {  	s15 =	rddreg [dreg:$0x14]  }
0x9d: {  	s16 =	rddreg [dreg:$0xf];
	[sflag:s4] =	ssyncset.done $0x0  }
0x9e: {  	s17 =	rddreg [dreg:$0xe];
	[sflag:s4] =	ssyncadd.s32 $0xFFFFFE00  }
0x9f: {  	[tilespmem:s10], [sflag:$0x1] =	stream.indirect.gather [hbm4b:s8+s9], $0x20, s2, s9, $0xb8;
	[tilespmem:$0x10800] =	vst v63  }
0xa0: {  	s18 =	rddreg [dreg:$0x10]  }
0xa1: {  	[tilespmem:s17], [sflag:$0x1] =	stream.indirect.gather [hbm4b:s8+s9], $0x20, s9, s9, $0xb8;
	[tilespmem:$0x10800] =	vst v63  }
0xa2: {  	s19 =	rddreg [dreg:$0x12]  }
0xa3: {  	[tilespmem:s18], [sflag:$0x1] =	stream.indirect.gather [hbm4b:s8+s9], $0x20, s16, s9, $0xb8;
	[tilespmem:$0x10800] =	vst v63  }
0xa4: {  	s17 =	rddreg [dreg:$0x11]  }
0xa5: {  	[tilespmem:s19], [sflag:$0x1] =	stream.indirect.gather [hbm4b:s8+s9], $0x20, s17, s9, $0xb8;
	[tilespmem:$0x10800] =	vst v63  }
0xa6: {  	s16 =	rddreg [dreg:$0x18]  }
0xa7: {  	[tilespmem:s12], [sflag:$0x1] =	stream.indirect.gather [hbm4b:s11+s9], $0x20, s5, s9, $0xb8;
	[tilespmem:$0x10800] =	vst v63  }
0xa8: {  	s18 =	rddreg [dreg:$0x13]  }
0xa9: {  	[tilespmem:s15], [sflag:$0x1] =	stream.indirect.gather [hbm4b:s11+s9], $0x20, s18, s9, $0xb8;
	[tilespmem:$0x10800] =	vst v63  }
0xaa: {  	s19 =	rddreg [dreg:$0x15]  }
0xab: {  	[tilespmem:s0], [sflag:$0x1] =	stream.indirect.gather [hbm4b:s11+s9], $0x20, s19, s9, $0xb8;
	[tilespmem:$0x10800] =	vst v63  }
0xac: {  	s17 =	rddreg [dreg:$0x17]  }
0xad: {  	[tilespmem:s16], [sflag:$0x1] =	stream.indirect.gather [hbm4b:s11+s9], $0x20, s17, s9, $0xb8;
	[tilespmem:$0x10800] =	vst v63  }
0xae: {  	_ = 	snop  }
0xaf: {  	[tilespmem:s14], [sflag:$0x1] =	stream.indirect.gather [hbm4b:s13+s9], $0x20, s6, s9, $0xb8;
	[tilespmem:$0x10800] =	vst v63  }
0xb0: {  	s18 =	simm.s32 $0x480;
	s19 =	simm.s32 $0x9800  }
0xb1: {  	[tilespmem:s19], [sflag:$0x1] =	stream.indirect.gather [hbm4b:s13+s9], $0x20, s18, s9, $0xb8;
	[tilespmem:$0x10800] =	vst v63  }
0xb2: {  	s15 =	simm.s32 $0x500;
	s16 =	simm.s32 $0xA800  }
0xb3: {  	[tilespmem:s16], [sflag:$0x1] =	stream.indirect.gather [hbm4b:s13+s9], $0x20, s15, s9, $0xb8;
	[tilespmem:$0x10800] =	vst v63  }
0xb4: {  	s17 =	simm.s32 $0x580  }
0xb5: {  	[tilespmem:s20], [sflag:$0x1] =	stream.indirect.gather [hbm4b:s13+s9], $0x20, s17, s9, $0xb8;
	[tilespmem:$0x10800] =	vst v63  }
0xb6: {  	_ = 	snop  }
0xb7: {  	[tilespmem:s21], [sflag:$0x1] =	stream.indirect.gather [hbm4b:s22+s9], $0x20, s7, s9, $0xb8;
	[tilespmem:$0x10800] =	vst v63  }
0xb8: {  	_ = 	snop  }
0xb9: {  	[tilespmem:s24], [sflag:$0x1] =	stream.indirect.gather [hbm4b:s22+s9], $0x20, s23, s9, $0xb8;
	[tilespmem:$0x10800] =	vst v63  }
0xba: {  	_ = 	snop  }
0xbb: {  	[tilespmem:s26], [sflag:$0x1] =	stream.indirect.gather [hbm4b:s22+s9], $0x20, s25, s9, $0xb8;
	[tilespmem:$0x10800] =	vst v63  }
0xbc: {  	_ = 	snop  }
0xbd: {  	[tilespmem:s29], [sflag:$0x1] =	stream.indirect.gather [hbm4b:s22+s9], $0x20, s28, s9, $0xb8;
	[tilespmem:$0x10800] =	vst v63  }
0xbe: {  	_ =	swait.ge [sflag:s30], $0x1000  }
0xbf: {  	[sflag:s30] =	ssyncset.done $0x0  }
0xc0: {  	[sflag:s30] =	ssyncadd.s32 $0xFFFFF000  }
0xc1: {  	_ =	swait.ge [sflag:s30], $0x1000  }
0xc2: {  	[sflag:s30] =	ssyncset.done $0x0  }
0xc3: {  	[sflag:s30] =	ssyncadd.s32 $0xFFFFF000  }
0xc4: {  	_ =	swait.ge [sflag:s30], $0x1000  }
0xc5: {  	[sflag:s30] =	ssyncset.done $0x0  }
0xc6: {  	[sflag:s30] =	ssyncadd.s32 $0xFFFFF000  }
0xc7: {  	_ =	swait.ge [sflag:s30], $0x1000  }
0xc8: {  	[sflag:s30] =	ssyncset.done $0x0  }
0xc9: {  	[sflag:s30] =	ssyncadd.s32 $0xFFFFF000  }
0xca: {  	_ =	swait.ge [sflag:s30], $0x1000  }
0xcb: {  	[sflag:s30] =	ssyncset.done $0x0  }
0xcc: {  	[sflag:s30] =	ssyncadd.s32 $0xFFFFF000  }
0xcd: {  	_ =	swait.ge [sflag:s30], $0x1000  }
0xce: {  	[sflag:s30] =	ssyncset.done $0x0  }
0xcf: {  	[sflag:s30] =	ssyncadd.s32 $0xFFFFF000  }
0xd0: {  	_ =	swait.ge [sflag:s30], $0x1000  }
0xd1: {  	[sflag:s30] =	ssyncset.done $0x0  }
0xd2: {  	[sflag:s30] =	ssyncadd.s32 $0xFFFFF000  }
0xd3: {  	_ =	swait.ge [sflag:s30], $0x1000  }
0xd4: {  	[sflag:s30] =	ssyncset.done $0x0  }
0xd5: {  	[sflag:s30] =	ssyncadd.s32 $0xFFFFF000  }
0xd6: {  	_ =	swait.ge [sflag:s30], $0x1000  }
0xd7: {  	[sflag:s30] =	ssyncset.done $0x0  }
0xd8: {  	[sflag:s30] =	ssyncadd.s32 $0xFFFFF000  }
0xd9: {  	_ =	swait.ge [sflag:s30], $0x1000  }
0xda: {  	[sflag:s30] =	ssyncset.done $0x0  }
0xdb: {  	[sflag:s30] =	ssyncadd.s32 $0xFFFFF000  }
0xdc: {  	_ =	swait.ge [sflag:s30], $0x1000  }
0xdd: {  	[sflag:s30] =	ssyncset.done $0x0  }
0xde: {  	[sflag:s30] =	ssyncadd.s32 $0xFFFFF000  }
0xdf: {  	_ =	swait.ge [sflag:s30], $0x1000  }
0xe0: {  	[sflag:s30] =	ssyncset.done $0x0  }
0xe1: {  	[sflag:s30] =	ssyncadd.s32 $0xFFFFF000  }
0xe2: {  	_ =	swait.ge [sflag:s30], $0x1000  }
0xe3: {  	[sflag:s30] =	ssyncset.done $0x0  }
0xe4: {  	[sflag:s30] =	ssyncadd.s32 $0xFFFFF000  }
0xe5: {  	_ =	swait.ge [sflag:s30], $0x1000  }
0xe6: {  	[sflag:s30] =	ssyncset.done $0x0  }
0xe7: {  	[sflag:s30] =	ssyncadd.s32 $0xFFFFF000  }
0xe8: {  	_ =	swait.ge [sflag:s30], $0x1000  }
0xe9: {  	[sflag:s30] =	ssyncset.done $0x0  }
0xea: {  	[sflag:s30] =	ssyncadd.s32 $0xFFFFF000  }
0xeb: {  	_ =	swait.ge [sflag:s30], $0x1000  }
0xec: {  	[sflag:s30] =	ssyncset.done $0x0  }
0xed: {  	[sflag:s30] =	ssyncadd.s32 $0xFFFFF000  }
0xee: {  	[hbm4b:s3+s31] =	stream.strided.scatter [tilespmem:s10], [sflag:$0x2], $0x4000, s9, s31, $0x38;
	[tilespmem:$0x10800] =	vst v63  }
0xef: {  	_ =	swait.ge [sflag:s4], $0x4000  }
0xf0: {  	[sflag:s4] =	ssyncset.done $0x0  }
0xf1: {  	s18 =	rddreg [dreg:$0xb];
	[sflag:s4] =	ssyncadd.s32 $0xFFFFC000  }
0xf2: {  	[hbm4b:s18+s31] =	stream.strided.scatter [tilespmem:s12], [sflag:$0x2], $0x4000, s9, s31, $0x38;
	[tilespmem:$0x10800] =	vst v63  }
0xf3: {  	_ =	swait.ge [sflag:s4], $0x4000  }
0xf4: {  	p0 =	sne.s32 s1, $0x1;
	[sflag:s4] =	ssyncset.done $0x0  }
.Ltmp1:
0xf5: {  	s19 =	rddreg [dreg:$0xc];
	[sflag:s4] =	ssyncadd.s32 $0xFFFFC000;
	(pc) =	sbr.rel @p0 .LBB2_1-.Ltmp1, $4  }
0xf6: {  	[hbm4b:s19+s31] =	stream.strided.scatter [tilespmem:s14], [sflag:$0x2], $0x4000, s9, s31, $0x38;
	[tilespmem:$0x10800] =	vst v63  }
0xf7: {  	_ =	swait.ge [sflag:s4], $0x4000  }
0xf8: {  	[sflag:s4] =	ssyncset.done $0x0  }
0xf9: {  	s1 =	sadd.s32 $0xFFFFFFFF, s1;
	s0 =	rddreg [dreg:$0xd];
	[sflag:s4] =	ssyncadd.s32 $0xFFFFC000  }
.LBB2_2:
0xfa: {  	[hbm4b:s0+s31] =	stream.strided.scatter [tilespmem:s21], [sflag:$0x2], $0x4000, s9, s31, $0x38;
	[tilespmem:$0x10800] =	vst v63  }
0xfb: {  	_ =	swait.ge [sflag:s4], $0x4000  }
0xfc: {  	[sflag:s4] =	ssyncset.done $0x0  }
0xfd: {  	[sflag:s4] =	ssyncadd.s32 $0xFFFFC000  }
0xfe: {  	_ =	sfence.sel $0x180000  }
0xff: {  	[bflag:$0x0] =	sbarrier.arrive $0xFFFF  }
0x100: {  	_ =	strace $0x90000047  }
0x101: {  	s31 =	stileid.u32;
	[bflag:$0x2] =	sbarrier.arrive $0xFFFF  }
0x102: {  	p0 =	sne.s32 s31, $0x0;
	s0 =	rddreg [dreg:$0x6]  }
0x103: {  	s0 =	sadd.s32 @!p0 $0x100000, s0  }
0x104: {  	[sflag:s0] =	ssyncadd.tile.s32 @!p0 $0x1;
	_ =	shalt  }
.Lfunc_end2:
_tile_overlayer_lowered:
.L_overlay_start_2:
0x105: {  	(tag) =	ssettag $0x2  }
0x106: {  	s0 =	rddreg [dreg:$0x0];
	s2 =	stileid.u32  }
0x107: {  	s1 =	rddreg [dreg:$0x1];
	p0 =	sne.s32 s2, $0x0  }
0x108: {  	s3 =	rddreg [dreg:$0x2];
	[bflag:$0x3] =	sbarrier.arrive $0xFFFF;
	s2 =	simm.s32 @!p0 $0x1C02  }
0x109: {  	[timem:s3], [sflag:s2] =	dma.local @!p0 [hbm:s0], s1  }
0x10a: {  	s0 =	simm.s32 @!p0 $0x2  }
0x10b: {  	_ =	swait.ge @!p0 [sflag:s0], s1  }
0x10c: {  	s1 =	ssub.s32 @!p0 $0x0, s1;
	[sflag:s0] =	ssyncset.done @!p0 $0x0  }
0x10d: {  	[sflag:s0] =	ssyncadd.s32 @!p0 s1  }
0x10e: {  	[bflag:$0x3] =	sbarrier.arrive $0xFFFF  }
0x10f: {  	_ =	shalt  }

</sc_bundles>
